<compile_context>
chip_gen: v7x
topology: tpu7x:2x2x1
jax: 0.10.2.dev20260603
libtpu: 0.0.44.dev20260713+nightly
codegen_flags: <defaults>
</compile_context>

<pallas_src>
import dataclasses
import functools

import jax
import jax.numpy as jnp
from jax import lax
from jax.experimental import pallas as pl
from jax.experimental.pallas import tpu as pltpu
from jax.experimental.pallas import tpu_sc as plsc

LANDMARK_GENES = 978
VOCAB_SIZE = 20000
HIDDEN_SIZE = 128
BATCH = 1024

LANES = 16
N_WORKERS = 32
SUB = 48
N_SLOTS = 8
LEAD = 6
N_ROWS = LANDMARK_GENES * BATCH
N_STEPS = N_ROWS // (SUB * N_WORKERS)
PER_WORKER = N_STEPS * SUB


def _scale_rows(rows_vmem, gex_vmem, row_lo, gex_lo):
    off = gex_lo - row_lo

    @plsc.parallel_loop(row_lo, row_lo + SUB, unroll=16)
    def _(r):
        gidx = jnp.full((LANES,), r + off, jnp.int32)
        g = plsc.load_gather(gex_vmem, [gidx])
        for c in range(HIDDEN_SIZE // LANES):
            sl = (r, pl.ds(c * LANES, LANES))
            rows_vmem[sl] = rows_vmem[sl] * g


def _gex_embed(ids_flat, gex_flat, table):
    mesh = plsc.VectorSubcoreMesh(core_axis_name="c", subcore_axis_name="s")
    cp = pltpu.CompilerParams()
    for _field, _val in (("needs_layout_passes", False),
                         ("use_tc_tiling_on_sc", False)):
        if _field in pltpu.CompilerParams.__dataclass_fields__:
            cp = dataclasses.replace(cp, **{_field: _val})

    @functools.partial(
        pl.kernel,
        out_type=jax.ShapeDtypeStruct(
            (LANDMARK_GENES, BATCH, HIDDEN_SIZE), jnp.float32
        ),
        mesh=mesh,
        compiler_params=cp,
        scratch_types=[
            pltpu.VMEM((PER_WORKER,), jnp.int32),
            pltpu.VMEM((PER_WORKER,), jnp.float32),
            pltpu.VMEM((N_SLOTS * SUB, HIDDEN_SIZE), jnp.float32),
            pltpu.SemaphoreType.DMA,
            pltpu.SemaphoreType.DMA,
            pltpu.SemaphoreType.DMA((N_SLOTS,)),
            pltpu.SemaphoreType.DMA((N_SLOTS,)),
        ],
    )
    def k(table_hbm, ids_hbm, gex_hbm, out_hbm, ids_v, gex_v, rows_v,
          sem_ids, sem_gex, gsem, osem):
        wid = lax.axis_index("s") * 2 + lax.axis_index("c")
        row0 = wid * PER_WORKER

        stage_i = pltpu.async_copy(
            ids_hbm.at[pl.ds(row0, PER_WORKER)], ids_v, sem_ids)
        stage_g = pltpu.async_copy(
            gex_hbm.at[pl.ds(row0, PER_WORKER)], gex_v, sem_gex)
        stage_i.wait()
        stage_g.wait()

        def slot_rows(slot):
            return rows_v.at[pl.ds(slot * SUB, SUB)]

        @pl.loop(0, N_STEPS + LEAD)
        def _(s):
            @pl.when(s < N_STEPS)
            def _():
                slot = lax.rem(s, N_SLOTS)

                @pl.when(s >= N_SLOTS)
                def _():
                    pltpu.make_async_copy(
                        slot_rows(slot), out_hbm.at[0, pl.ds(0, SUB)],
                        osem.at[slot]).wait()

                pltpu.async_copy(
                    table_hbm.at[ids_v.at[pl.ds(s * SUB, SUB)]],
                    slot_rows(slot), gsem.at[slot])

            t = s - LEAD

            @pl.when(t >= 0)
            def _():
                slot2 = lax.rem(t, N_SLOTS)
                pltpu.make_async_copy(
                    table_hbm.at[ids_v.at[pl.ds(0, SUB)]],
                    slot_rows(slot2), gsem.at[slot2]).wait()
                _scale_rows(rows_v, gex_v, slot2 * SUB, t * SUB)
                row = row0 + t * SUB
                gene = row // BATCH
                off = lax.rem(row, BATCH)
                pltpu.async_copy(
                    slot_rows(slot2), out_hbm.at[gene, pl.ds(off, SUB)],
                    osem.at[slot2])

        @pl.loop(0, N_SLOTS)
        def _(q):
            pltpu.make_async_copy(
                slot_rows(q), out_hbm.at[0, pl.ds(0, SUB)],
                osem.at[q]).wait()

    return k(table, ids_flat, gex_flat)


def kernel(gene_expression, gene_input_ids, bool_masked_pos, group_mtx, gene_embedding_table):
    del bool_masked_pos, group_mtx
    ids_flat = gene_input_ids.astype(jnp.int32).T.reshape(-1)
    gex_flat = gene_expression.astype(jnp.float32).T.reshape(-1)
    out_t = _gex_embed(ids_flat, gex_flat, gene_embedding_table)
    return jnp.transpose(out_t, (1, 0, 2))

# --- scband reference (transcript-rebuilt; emitter-appended) ---
"""Pipeline reference for scband-gextembeddings-15599321219241 (READ-ONLY COPY).

The authoritative reference and input builder live on the scoring server;
editing this copy changes nothing except your own understanding.
"""

import jax, jax.numpy as jnp
import numpy as np

LANDMARK_GENES = 978
VOCAB_SIZE = 20000
HIDDEN_SIZE = 128
BATCH = 1024


def setup_inputs(seed: int = 0) -> dict:
    key = jax.random.key(seed)
    k1, k2, k3, k4 = jax.random.split(key, 4)
    gene_expression = jax.random.normal(k1, (BATCH, LANDMARK_GENES), dtype=jnp.float32)
    gene_input_ids = jax.random.randint(k2, (BATCH, LANDMARK_GENES), 0, VOCAB_SIZE).astype(jnp.int64)
    bool_masked_pos = jnp.zeros((BATCH, LANDMARK_GENES), dtype=bool)
    group_mtx = jax.random.normal(k3, (LANDMARK_GENES, LANDMARK_GENES), dtype=jnp.float32)
    gene_embedding_table = jax.random.normal(k4, (VOCAB_SIZE, HIDDEN_SIZE), dtype=jnp.float32) * 0.02
    return {
        "gene_expression": gene_expression,
        "gene_input_ids": gene_input_ids,
        "bool_masked_pos": bool_masked_pos,
        "group_mtx": group_mtx,
        "gene_embedding_table": gene_embedding_table,
    }


def reference(gene_expression, gene_input_ids, bool_masked_pos, group_mtx, gene_embedding_table):
    # Faithful translation of GEXTEmbeddings.forward
    gene_expression = gene_expression[:, :LANDMARK_GENES]
    gene_input_ids = gene_input_ids[:, :LANDMARK_GENES]
    # nn.Embedding lookup -> gather rows of the table
    gene_embeddings = jnp.take(gene_embedding_table, gene_input_ids, axis=0)
    # broadcasted elementwise scale by expression value
    gex_embeddings = gene_expression[:, :, None] * gene_embeddings
    return gex_embeddings

if __name__ == "__main__":
    import jax
    _d = setup_inputs()
    print(jax.jit(kernel)(*tuple(_d.values())))

</pallas_src>

<mosaic_0001>
#map = affine_map<(d0, d1) -> (0, 0)>
#map1 = affine_map<(d0, d1) -> (0)>
#map2 = affine_map<(d0, d1) -> (0, 0, 0)>
module attributes {stable_mosaic.version = 14 : i64} {
  func.func @k(%arg0: i32, %arg1: i32, %arg2: memref<20000x128xf32, #tpu.memory_space<hbm>>, %arg3: memref<1001472xi32, #tpu.memory_space<hbm>>, %arg4: memref<1001472xf32, #tpu.memory_space<hbm>>, %arg5: memref<978x1024x128xf32, #tpu.memory_space<hbm>>, %arg6: memref<31296xi32, #tpu.memory_space<vmem>>, %arg7: memref<31296xf32, #tpu.memory_space<vmem>>, %arg8: memref<384x128xf32, #tpu.memory_space<vmem>>, %arg9: memref<!tpu.dma_semaphore, #tpu.memory_space<semaphore_mem>>, %arg10: memref<!tpu.dma_semaphore, #tpu.memory_space<semaphore_mem>>, %arg11: memref<8x!tpu.dma_semaphore, #tpu.memory_space<semaphore_mem>>, %arg12: memref<8x!tpu.dma_semaphore, #tpu.memory_space<semaphore_mem>>) attributes {dimension_semantics = [#tpu.dimension_semantics<core_parallel>, #tpu.dimension_semantics<subcore_parallel>], iteration_bounds = array<i64: 2, 16>, scalar_prefetch = 0 : i64, scratch_operands = 7 : i64, tpu.core_type = #tpu.core_type<sc_vector_subcore>, window_params = [{transform_indices = #map}, {transform_indices = #map1}, {transform_indices = #map1}, {transform_indices = #map2}]} {
    %mul3A = arith.constant 2 : i32
    %mul3A_0 = arith.muli %arg1, %mul3A : i32
    %add3A = arith.addi %mul3A_0, %arg0 : i32
    %mul3A_1 = arith.constant 31296 : i32
    %mul3A_2 = arith.muli %add3A, %mul3A_1 : i32
    %dma_start3A = tpu.memref_slice %arg3[%mul3A_2] : memref<1001472xi32, #tpu.memory_space<hbm>> -> memref<31296xi32, #tpu.memory_space<hbm>>
    %dma_start3A_3 = tpu.memref_slice %arg3[%mul3A_2] : memref<1001472xi32, #tpu.memory_space<hbm>> -> memref<31296xi32, #tpu.memory_space<hbm>>
    tpu.enqueue_dma source(%dma_start3A_3 : memref<31296xi32, #tpu.memory_space<hbm>>) target(%arg6 : memref<31296xi32, #tpu.memory_space<vmem>>) target_semaphore(%arg9 : memref<!tpu.dma_semaphore, #tpu.memory_space<semaphore_mem>>)
    %dma_start3A_4 = tpu.memref_slice %arg4[%mul3A_2] : memref<1001472xf32, #tpu.memory_space<hbm>> -> memref<31296xf32, #tpu.memory_space<hbm>>
    %dma_start3A_5 = tpu.memref_slice %arg4[%mul3A_2] : memref<1001472xf32, #tpu.memory_space<hbm>> -> memref<31296xf32, #tpu.memory_space<hbm>>
    tpu.enqueue_dma source(%dma_start3A_5 : memref<31296xf32, #tpu.memory_space<hbm>>) target(%arg7 : memref<31296xf32, #tpu.memory_space<vmem>>) target_semaphore(%arg10 : memref<!tpu.dma_semaphore, #tpu.memory_space<semaphore_mem>>)
    %dma_wait3A = tpu.memref_slice %arg3[%mul3A_2] : memref<1001472xi32, #tpu.memory_space<hbm>> -> memref<31296xi32, #tpu.memory_space<hbm>>
    %dma_wait3A_6 = tpu.memref_slice %arg3[%mul3A_2] : memref<1001472xi32, #tpu.memory_space<hbm>> -> memref<31296xi32, #tpu.memory_space<hbm>>
    tpu.wait_dma2 semaphore(%arg9 : memref<!tpu.dma_semaphore, #tpu.memory_space<semaphore_mem>>) src(%dma_wait3A_6 : memref<31296xi32, #tpu.memory_space<hbm>>) dst(%arg6 : memref<31296xi32, #tpu.memory_space<vmem>>)
    %dma_wait3A_7 = tpu.memref_slice %arg4[%mul3A_2] : memref<1001472xf32, #tpu.memory_space<hbm>> -> memref<31296xf32, #tpu.memory_space<hbm>>
    %dma_wait3A_8 = tpu.memref_slice %arg4[%mul3A_2] : memref<1001472xf32, #tpu.memory_space<hbm>> -> memref<31296xf32, #tpu.memory_space<hbm>>
    tpu.wait_dma2 semaphore(%arg10 : memref<!tpu.dma_semaphore, #tpu.memory_space<semaphore_mem>>) src(%dma_wait3A_8 : memref<31296xf32, #tpu.memory_space<hbm>>) dst(%arg7 : memref<31296xf32, #tpu.memory_space<vmem>>)
    %scan3A = arith.constant 0 : i32
    %scan3A_9 = arith.constant 658 : i32
    %scan3A_10 = arith.addi %scan3A, %scan3A_9 : i32
    %scan3A_11 = arith.constant 1 : i32
    scf.for %scan3A_18 = %scan3A to %scan3A_10 step %scan3A_11  : i32 {
      %mul3A_19 = arith.constant 1 : i32
      %mul3A_20 = arith.muli %scan3A_18, %mul3A_19 : i32
      %add3A_21 = arith.constant 0 : i32
      %add3A_22 = arith.addi %add3A_21, %mul3A_20 : i32
      %lt3A = arith.constant 652 : i32
      %lt3A_23 = arith.cmpi slt, %add3A_22, %lt3A : i32
      %convert_element_type3A = arith.extui %lt3A_23 : i1 to i32
      %cond3A = arith.constant 0 : i32
      %cond3A_24 = arith.cmpi ne, %convert_element_type3A, %cond3A : i32
      scf.if %cond3A_24 {
        %rem3A = arith.constant 8 : i32
        %rem3A_30 = arith.remsi %add3A_22, %rem3A : i32
        %ge3A_31 = arith.constant 8 : i32
        %ge3A_32 = arith.cmpi sge, %add3A_22, %ge3A_31 : i32
        %convert_element_type3A_33 = arith.extui %ge3A_32 : i1 to i32
        %cond3A_34 = arith.constant 0 : i32
        %cond3A_35 = arith.cmpi ne, %convert_element_type3A_33, %cond3A_34 : i32
        scf.if %cond3A_35 {
          %mul3A_48 = arith.constant 48 : i32
          %mul3A_49 = arith.muli %rem3A_30, %mul3A_48 : i32
          %dma_wait3A_50 = arith.constant 0 : i32
          %dma_wait3A_51 = arith.constant 0 : i32
          %dma_wait3A_52 = tpu.memref_slice %arg8[%mul3A_49, %dma_wait3A_51] : memref<384x128xf32, #tpu.memory_space<vmem>> -> memref<48x128xf32, #tpu.memory_space<vmem>>
          %dma_wait3A_53 = arith.constant 0 : i32
          %dma_wait3A_54 = arith.constant 0 : i32
          %dma_wait3A_55 = tpu.memref_slice %arg5[%dma_wait3A_50, %dma_wait3A_53, %dma_wait3A_54] : memref<978x1024x128xf32, #tpu.memory_space<hbm>> -> memref<1x48x128xf32, #tpu.memory_space<hbm>>
          %dma_wait3A_56 = tpu.memref_squeeze %dma_wait3A_55 : memref<1x48x128xf32, #tpu.memory_space<hbm>> -> memref<48x128xf32, #tpu.memory_space<hbm>>
          %dma_wait3A_57 = tpu.memref_slice %arg12[%rem3A_30] : memref<8x!tpu.dma_semaphore, #tpu.memory_space<semaphore_mem>> -> memref<1x!tpu.dma_semaphore, #tpu.memory_space<semaphore_mem>>
          %dma_wait3A_58 = tpu.memref_squeeze %dma_wait3A_57 : memref<1x!tpu.dma_semaphore, #tpu.memory_space<semaphore_mem>> -> memref<!tpu.dma_semaphore, #tpu.memory_space<semaphore_mem>>
          %dma_wait3A_59 = arith.constant 0 : i32
          %dma_wait3A_60 = arith.constant 0 : i32
          %dma_wait3A_61 = tpu.memref_slice %arg5[%dma_wait3A_50, %dma_wait3A_59, %dma_wait3A_60] : memref<978x1024x128xf32, #tpu.memory_space<hbm>> -> memref<1x48x128xf32, #tpu.memory_space<hbm>>
          %dma_wait3A_62 = tpu.memref_squeeze %dma_wait3A_61 : memref<1x48x128xf32, #tpu.memory_space<hbm>> -> memref<48x128xf32, #tpu.memory_space<hbm>>
          %dma_wait3A_63 = arith.constant 0 : i32
          %dma_wait3A_64 = tpu.memref_slice %arg8[%mul3A_49, %dma_wait3A_63] : memref<384x128xf32, #tpu.memory_space<vmem>> -> memref<48x128xf32, #tpu.memory_space<vmem>>
          tpu.wait_dma2 semaphore(%dma_wait3A_58 : memref<!tpu.dma_semaphore, #tpu.memory_space<semaphore_mem>>) src(%dma_wait3A_64 : memref<48x128xf32, #tpu.memory_space<vmem>>) dst(%dma_wait3A_62 : memref<48x128xf32, #tpu.memory_space<hbm>>)
        } else {
        }
        %mul3A_36 = arith.constant 48 : i32
        %mul3A_37 = arith.muli %add3A_22, %mul3A_36 : i32
        %mul3A_38 = arith.constant 48 : i32
        %mul3A_39 = arith.muli %rem3A_30, %mul3A_38 : i32
        %dma_start3A_40 = arith.constant 0 : i32
        %dma_start3A_41 = tpu.memref_slice %arg8[%mul3A_39, %dma_start3A_40] : memref<384x128xf32, #tpu.memory_space<vmem>> -> memref<48x128xf32, #tpu.memory_space<vmem>>
        %dma_start3A_42 = tpu.memref_slice %arg6[%mul3A_37] : memref<31296xi32, #tpu.memory_space<vmem>> -> memref<48xi32, #tpu.memory_space<vmem>>
        %dma_start3A_43 = arith.constant 0 : i32
        %dma_start3A_44 = arith.constant 0 : i32
        %dma_start3A_45 = tpu.memref_slice %arg2[%dma_start3A_43, %dma_start3A_44] : memref<20000x128xf32, #tpu.memory_space<hbm>> -> memref<20000x128xf32, #tpu.memory_space<hbm>>
        %dma_start3A_46 = tpu.memref_slice %arg11[%rem3A_30] : memref<8x!tpu.dma_semaphore, #tpu.memory_space<semaphore_mem>> -> memref<1x!tpu.dma_semaphore, #tpu.memory_space<semaphore_mem>>
        %dma_start3A_47 = tpu.memref_squeeze %dma_start3A_46 : memref<1x!tpu.dma_semaphore, #tpu.memory_space<semaphore_mem>> -> memref<!tpu.dma_semaphore, #tpu.memory_space<semaphore_mem>>
        tpu.enqueue_indirect_dma source(%dma_start3A_45 : memref<20000x128xf32, #tpu.memory_space<hbm>>) target(%dma_start3A_41 : memref<48x128xf32, #tpu.memory_space<vmem>>) offsets(%dma_start3A_42 : memref<48xi32, #tpu.memory_space<vmem>>) semaphore(%dma_start3A_47 : memref<!tpu.dma_semaphore, #tpu.memory_space<semaphore_mem>>)
      } else {
      }
      %sub3A = arith.constant 6 : i32
      %sub3A_25 = arith.subi %add3A_22, %sub3A : i32
      %ge3A = arith.constant 0 : i32
      %ge3A_26 = arith.cmpi sge, %sub3A_25, %ge3A : i32
      %convert_element_type3A_27 = arith.extui %ge3A_26 : i1 to i32
      %cond3A_28 = arith.constant 0 : i32
      %cond3A_29 = arith.cmpi ne, %convert_element_type3A_27, %cond3A_28 : i32
      scf.if %cond3A_29 {
        %rem3A = arith.constant 8 : i32
        %rem3A_30 = arith.remsi %sub3A_25, %rem3A : i32
        %mul3A_31 = arith.constant 48 : i32
        %mul3A_32 = arith.muli %rem3A_30, %mul3A_31 : i32
        %dma_wait3A_33 = arith.constant 0 : i32
        %dma_wait3A_34 = tpu.memref_slice %arg8[%mul3A_32, %dma_wait3A_33] : memref<384x128xf32, #tpu.memory_space<vmem>> -> memref<48x128xf32, #tpu.memory_space<vmem>>
        %dma_wait3A_35 = arith.constant 0 : i32
        %dma_wait3A_36 = tpu.memref_slice %arg6[%dma_wait3A_35] : memref<31296xi32, #tpu.memory_space<vmem>> -> memref<48xi32, #tpu.memory_space<vmem>>
        %dma_wait3A_37 = arith.constant 0 : i32
        %dma_wait3A_38 = arith.constant 0 : i32
        %dma_wait3A_39 = tpu.memref_slice %arg2[%dma_wait3A_37, %dma_wait3A_38] : memref<20000x128xf32, #tpu.memory_space<hbm>> -> memref<20000x128xf32, #tpu.memory_space<hbm>>
        %dma_wait3A_40 = tpu.memref_slice %arg11[%rem3A_30] : memref<8x!tpu.dma_semaphore, #tpu.memory_space<semaphore_mem>> -> memref<1x!tpu.dma_semaphore, #tpu.memory_space<semaphore_mem>>
        %dma_wait3A_41 = tpu.memref_squeeze %dma_wait3A_40 : memref<1x!tpu.dma_semaphore, #tpu.memory_space<semaphore_mem>> -> memref<!tpu.dma_semaphore, #tpu.memory_space<semaphore_mem>>
        tpu.wait_indirect_dma semaphore(%dma_wait3A_41 : memref<!tpu.dma_semaphore, #tpu.memory_space<semaphore_mem>>) src(%dma_wait3A_39 : memref<20000x128xf32, #tpu.memory_space<hbm>>) dst(%dma_wait3A_34 : memref<48x128xf32, #tpu.memory_space<vmem>>)
        %mul3A_42 = arith.constant 48 : i32
        %mul3A_43 = arith.muli %rem3A_30, %mul3A_42 : i32
        %mul3A_44 = arith.constant 48 : i32
        %mul3A_45 = arith.muli %sub3A_25, %mul3A_44 : i32
        %sub3A_46 = arith.subi %mul3A_45, %mul3A_43 : i32
        %add3A_47 = arith.constant 48 : i32
        %add3A_48 = arith.addi %mul3A_43, %add3A_47 : i32
        %parallel_loop3A = arith.constant 1 : i32
        scf.for %parallel_loop3A_86 = %mul3A_43 to %add3A_48 step %parallel_loop3A  : i32 {
          %parallel_loop3A_87 = arith.addi %parallel_loop3A_86, %sub3A_46 : i32
          %parallel_loop3A_88 = vector.broadcast %parallel_loop3A_87 : i32 to vector<16xi32>
          %parallel_loop3A_89 = tpu.vector_load_idx %arg7[%parallel_loop3A_88] : memref<31296xf32, #tpu.memory_space<vmem>>[vector<16xi32>], vector<16xf32>,
          %parallel_loop3A_90 = arith.index_cast %parallel_loop3A_86 : i32 to index
          %parallel_loop3A_91 = arith.constant 0 : index
          %parallel_loop3A_92 = tpu.vector_load %arg8[%parallel_loop3A_90, %parallel_loop3A_91] {strides = array<i32>} : memref<384x128xf32, #tpu.memory_space<vmem>>, vector<16xf32>,
          %parallel_loop3A_93 = arith.mulf %parallel_loop3A_92, %parallel_loop3A_89 : vector<16xf32>
          %parallel_loop3A_94 = arith.index_cast %parallel_loop3A_86 : i32 to index
          %parallel_loop3A_95 = arith.constant 0 : index
          %parallel_loop3A_96 = tpu.vector_load %arg8[%parallel_loop3A_94, %parallel_loop3A_95] {strides = array<i32>} : memref<384x128xf32, #tpu.memory_space<vmem>>, vector<16xf32>,
          tpu.vector_store %arg8[%parallel_loop3A_94, %parallel_loop3A_95], %parallel_loop3A_93 {strides = array<i32>} : memref<384x128xf32, #tpu.memory_space<vmem>>, vector<16xf32>,
          %parallel_loop3A_97 = arith.index_cast %parallel_loop3A_86 : i32 to index
          %parallel_loop3A_98 = arith.constant 16 : index
          %parallel_loop3A_99 = tpu.vector_load %arg8[%parallel_loop3A_97, %parallel_loop3A_98] {strides = array<i32>} : memref<384x128xf32, #tpu.memory_space<vmem>>, vector<16xf32>,
          %parallel_loop3A_100 = arith.mulf %parallel_loop3A_99, %parallel_loop3A_89 : vector<16xf32>
          %parallel_loop3A_101 = arith.index_cast %parallel_loop3A_86 : i32 to index
          %parallel_loop3A_102 = arith.constant 16 : index
          %parallel_loop3A_103 = tpu.vector_load %arg8[%parallel_loop3A_101, %parallel_loop3A_102] {strides = array<i32>} : memref<384x128xf32, #tpu.memory_space<vmem>>, vector<16xf32>,
          tpu.vector_store %arg8[%parallel_loop3A_101, %parallel_loop3A_102], %parallel_loop3A_100 {strides = array<i32>} : memref<384x128xf32, #tpu.memory_space<vmem>>, vector<16xf32>,
          %parallel_loop3A_104 = arith.index_cast %parallel_loop3A_86 : i32 to index
          %parallel_loop3A_105 = arith.constant 32 : index
          %parallel_loop3A_106 = tpu.vector_load %arg8[%parallel_loop3A_104, %parallel_loop3A_105] {strides = array<i32>} : memref<384x128xf32, #tpu.memory_space<vmem>>, vector<16xf32>,
          %parallel_loop3A_107 = arith.mulf %parallel_loop3A_106, %parallel_loop3A_89 : vector<16xf32>
          %parallel_loop3A_108 = arith.index_cast %parallel_loop3A_86 : i32 to index
          %parallel_loop3A_109 = arith.constant 32 : index
          %parallel_loop3A_110 = tpu.vector_load %arg8[%parallel_loop3A_108, %parallel_loop3A_109] {strides = array<i32>} : memref<384x128xf32, #tpu.memory_space<vmem>>, vector<16xf32>,
          tpu.vector_store %arg8[%parallel_loop3A_108, %parallel_loop3A_109], %parallel_loop3A_107 {strides = array<i32>} : memref<384x128xf32, #tpu.memory_space<vmem>>, vector<16xf32>,
          %parallel_loop3A_111 = arith.index_cast %parallel_loop3A_86 : i32 to index
          %parallel_loop3A_112 = arith.constant 48 : index
          %parallel_loop3A_113 = tpu.vector_load %arg8[%parallel_loop3A_111, %parallel_loop3A_112] {strides = array<i32>} : memref<384x128xf32, #tpu.memory_space<vmem>>, vector<16xf32>,
          %parallel_loop3A_114 = arith.mulf %parallel_loop3A_113, %parallel_loop3A_89 : vector<16xf32>
          %parallel_loop3A_115 = arith.index_cast %parallel_loop3A_86 : i32 to index
          %parallel_loop3A_116 = arith.constant 48 : index
          %parallel_loop3A_117 = tpu.vector_load %arg8[%parallel_loop3A_115, %parallel_loop3A_116] {strides = array<i32>} : memref<384x128xf32, #tpu.memory_space<vmem>>, vector<16xf32>,
          tpu.vector_store %arg8[%parallel_loop3A_115, %parallel_loop3A_116], %parallel_loop3A_114 {strides = array<i32>} : memref<384x128xf32, #tpu.memory_space<vmem>>, vector<16xf32>,
          %parallel_loop3A_118 = arith.index_cast %parallel_loop3A_86 : i32 to index
          %parallel_loop3A_119 = arith.constant 64 : index
          %parallel_loop3A_120 = tpu.vector_load %arg8[%parallel_loop3A_118, %parallel_loop3A_119] {strides = array<i32>} : memref<384x128xf32, #tpu.memory_space<vmem>>, vector<16xf32>,
          %parallel_loop3A_121 = arith.mulf %parallel_loop3A_120, %parallel_loop3A_89 : vector<16xf32>
          %parallel_loop3A_122 = arith.index_cast %parallel_loop3A_86 : i32 to index
          %parallel_loop3A_123 = arith.constant 64 : index
          %parallel_loop3A_124 = tpu.vector_load %arg8[%parallel_loop3A_122, %parallel_loop3A_123] {strides = array<i32>} : memref<384x128xf32, #tpu.memory_space<vmem>>, vector<16xf32>,
          tpu.vector_store %arg8[%parallel_loop3A_122, %parallel_loop3A_123], %parallel_loop3A_121 {strides = array<i32>} : memref<384x128xf32, #tpu.memory_space<vmem>>, vector<16xf32>,
          %parallel_loop3A_125 = arith.index_cast %parallel_loop3A_86 : i32 to index
          %parallel_loop3A_126 = arith.constant 80 : index
          %parallel_loop3A_127 = tpu.vector_load %arg8[%parallel_loop3A_125, %parallel_loop3A_126] {strides = array<i32>} : memref<384x128xf32, #tpu.memory_space<vmem>>, vector<16xf32>,
          %parallel_loop3A_128 = arith.mulf %parallel_loop3A_127, %parallel_loop3A_89 : vector<16xf32>
          %parallel_loop3A_129 = arith.index_cast %parallel_loop3A_86 : i32 to index
          %parallel_loop3A_130 = arith.constant 80 : index
          %parallel_loop3A_131 = tpu.vector_load %arg8[%parallel_loop3A_129, %parallel_loop3A_130] {strides = array<i32>} : memref<384x128xf32, #tpu.memory_space<vmem>>, vector<16xf32>,
          tpu.vector_store %arg8[%parallel_loop3A_129, %parallel_loop3A_130], %parallel_loop3A_128 {strides = array<i32>} : memref<384x128xf32, #tpu.memory_space<vmem>>, vector<16xf32>,
          %parallel_loop3A_132 = arith.index_cast %parallel_loop3A_86 : i32 to index
          %parallel_loop3A_133 = arith.constant 96 : index
          %parallel_loop3A_134 = tpu.vector_load %arg8[%parallel_loop3A_132, %parallel_loop3A_133] {strides = array<i32>} : memref<384x128xf32, #tpu.memory_space<vmem>>, vector<16xf32>,
          %parallel_loop3A_135 = arith.mulf %parallel_loop3A_134, %parallel_loop3A_89 : vector<16xf32>
          %parallel_loop3A_136 = arith.index_cast %parallel_loop3A_86 : i32 to index
          %parallel_loop3A_137 = arith.constant 96 : index
          %parallel_loop3A_138 = tpu.vector_load %arg8[%parallel_loop3A_136, %parallel_loop3A_137] {strides = array<i32>} : memref<384x128xf32, #tpu.memory_space<vmem>>, vector<16xf32>,
          tpu.vector_store %arg8[%parallel_loop3A_136, %parallel_loop3A_137], %parallel_loop3A_135 {strides = array<i32>} : memref<384x128xf32, #tpu.memory_space<vmem>>, vector<16xf32>,
          %parallel_loop3A_139 = arith.index_cast %parallel_loop3A_86 : i32 to index
          %parallel_loop3A_140 = arith.constant 112 : index
          %parallel_loop3A_141 = tpu.vector_load %arg8[%parallel_loop3A_139, %parallel_loop3A_140] {strides = array<i32>} : memref<384x128xf32, #tpu.memory_space<vmem>>, vector<16xf32>,
          %parallel_loop3A_142 = arith.mulf %parallel_loop3A_141, %parallel_loop3A_89 : vector<16xf32>
          %parallel_loop3A_143 = arith.index_cast %parallel_loop3A_86 : i32 to index
          %parallel_loop3A_144 = arith.constant 112 : index
          %parallel_loop3A_145 = tpu.vector_load %arg8[%parallel_loop3A_143, %parallel_loop3A_144] {strides = array<i32>} : memref<384x128xf32, #tpu.memory_space<vmem>>, vector<16xf32>,
          tpu.vector_store %arg8[%parallel_loop3A_143, %parallel_loop3A_144], %parallel_loop3A_142 {strides = array<i32>} : memref<384x128xf32, #tpu.memory_space<vmem>>, vector<16xf32>,
        } {sc.loop_unroll_factor = 16 : i64, sc.parallel_access}
        %mul3A_49 = arith.constant 48 : i32
        %mul3A_50 = arith.muli %sub3A_25, %mul3A_49 : i32
        %add3A_51 = arith.addi %mul3A_2, %mul3A_50 : i32
        %jit3A = arith.constant 1024 : i32
        %div3A = arith.divsi %add3A_51, %jit3A : i32
        %sign3A = arith.constant 0 : i32
        %sign3A_52 = arith.cmpi sgt, %add3A_51, %sign3A : i32
        %sign3A_53 = arith.extui %sign3A_52 : i1 to i32
        %sign3A_54 = arith.constant 0 : i32
        %sign3A_55 = arith.cmpi slt, %add3A_51, %sign3A_54 : i32
        %sign3A_56 = arith.extui %sign3A_55 : i1 to i32
        %sign3A_57 = arith.subi %sign3A_53, %sign3A_56 : i32
        %sign3A_58 = arith.constant 0 : i32
        %sign3A_59 = arith.cmpi sgt, %jit3A, %sign3A_58 : i32
        %sign3A_60 = arith.extui %sign3A_59 : i1 to i32
        %sign3A_61 = arith.constant 0 : i32
        %sign3A_62 = arith.cmpi slt, %jit3A, %sign3A_61 : i32
        %sign3A_63 = arith.extui %sign3A_62 : i1 to i32
        %sign3A_64 = arith.subi %sign3A_60, %sign3A_63 : i32
        %ne3A = arith.cmpi ne, %sign3A_57, %sign3A_64 : i32
        %rem3A_65 = arith.remsi %add3A_51, %jit3A : i32
        %ne3A_66 = arith.constant 0 : i32
        %ne3A_67 = arith.cmpi ne, %rem3A_65, %ne3A_66 : i32
        %and3A = arith.andi %ne3A, %ne3A_67 : i1
        %sub3A_68 = arith.constant 1 : i32
        %sub3A_69 = arith.subi %div3A, %sub3A_68 : i32
        %select_n3A = arith.select %and3A, %sub3A_69, %div3A : i32
        %rem3A_70 = arith.constant 1024 : i32
        %rem3A_71 = arith.remsi %add3A_51, %rem3A_70 : i32
        %mul3A_72 = arith.constant 48 : i32
        %mul3A_73 = arith.muli %rem3A_30, %mul3A_72 : i32
        %dma_start3A_74 = arith.constant 0 : i32
        %dma_start3A_75 = tpu.memref_slice %arg8[%mul3A_73, %dma_start3A_74] : memref<384x128xf32, #tpu.memory_space<vmem>> -> memref<48x128xf32, #tpu.memory_space<vmem>>
        %dma_start3A_76 = arith.constant 0 : i32
        %dma_start3A_77 = tpu.memref_slice %arg5[%select_n3A, %rem3A_71, %dma_start3A_76] : memref<978x1024x128xf32, #tpu.memory_space<hbm>> -> memref<1x48x128xf32, #tpu.memory_space<hbm>>
        %dma_start3A_78 = tpu.memref_squeeze %dma_start3A_77 : memref<1x48x128xf32, #tpu.memory_space<hbm>> -> memref<48x128xf32, #tpu.memory_space<hbm>>
        %dma_start3A_79 = tpu.memref_slice %arg12[%rem3A_30] : memref<8x!tpu.dma_semaphore, #tpu.memory_space<semaphore_mem>> -> memref<1x!tpu.dma_semaphore, #tpu.memory_space<semaphore_mem>>
        %dma_start3A_80 = tpu.memref_squeeze %dma_start3A_79 : memref<1x!tpu.dma_semaphore, #tpu.memory_space<semaphore_mem>> -> memref<!tpu.dma_semaphore, #tpu.memory_space<semaphore_mem>>
        %dma_start3A_81 = arith.constant 0 : i32
        %dma_start3A_82 = tpu.memref_slice %arg5[%select_n3A, %rem3A_71, %dma_start3A_81] : memref<978x1024x128xf32, #tpu.memory_space<hbm>> -> memref<1x48x128xf32, #tpu.memory_space<hbm>>
        %dma_start3A_83 = tpu.memref_squeeze %dma_start3A_82 : memref<1x48x128xf32, #tpu.memory_space<hbm>> -> memref<48x128xf32, #tpu.memory_space<hbm>>
        %dma_start3A_84 = arith.constant 0 : i32
        %dma_start3A_85 = tpu.memref_slice %arg8[%mul3A_73, %dma_start3A_84] : memref<384x128xf32, #tpu.memory_space<vmem>> -> memref<48x128xf32, #tpu.memory_space<vmem>>
        tpu.enqueue_dma source(%dma_start3A_85 : memref<48x128xf32, #tpu.memory_space<vmem>>) target(%dma_start3A_83 : memref<48x128xf32, #tpu.memory_space<hbm>>) target_semaphore(%dma_start3A_80 : memref<!tpu.dma_semaphore, #tpu.memory_space<semaphore_mem>>)
      } else {
      }
    }
    %scan3A_12 = arith.constant 658 : i32
    %scan3A_13 = arith.constant 0 : i32
    %scan3A_14 = arith.constant 8 : i32
    %scan3A_15 = arith.addi %scan3A_13, %scan3A_14 : i32
    %scan3A_16 = arith.constant 1 : i32
    scf.for %scan3A_18 = %scan3A_13 to %scan3A_15 step %scan3A_16  : i32 {
      %mul3A_19 = arith.constant 1 : i32
      %mul3A_20 = arith.muli %scan3A_18, %mul3A_19 : i32
      %add3A_21 = arith.constant 0 : i32
      %add3A_22 = arith.addi %add3A_21, %mul3A_20 : i32
      %mul3A_23 = arith.constant 48 : i32
      %mul3A_24 = arith.muli %add3A_22, %mul3A_23 : i32
      %dma_wait3A_25 = arith.constant 0 : i32
      %dma_wait3A_26 = arith.constant 0 : i32
      %dma_wait3A_27 = tpu.memref_slice %arg8[%mul3A_24, %dma_wait3A_26] : memref<384x128xf32, #tpu.memory_space<vmem>> -> memref<48x128xf32, #tpu.memory_space<vmem>>
      %dma_wait3A_28 = arith.constant 0 : i32
      %dma_wait3A_29 = arith.constant 0 : i32
      %dma_wait3A_30 = tpu.memref_slice %arg5[%dma_wait3A_25, %dma_wait3A_28, %dma_wait3A_29] : memref<978x1024x128xf32, #tpu.memory_space<hbm>> -> memref<1x48x128xf32, #tpu.memory_space<hbm>>
      %dma_wait3A_31 = tpu.memref_squeeze %dma_wait3A_30 : memref<1x48x128xf32, #tpu.memory_space<hbm>> -> memref<48x128xf32, #tpu.memory_space<hbm>>
      %dma_wait3A_32 = tpu.memref_slice %arg12[%add3A_22] : memref<8x!tpu.dma_semaphore, #tpu.memory_space<semaphore_mem>> -> memref<1x!tpu.dma_semaphore, #tpu.memory_space<semaphore_mem>>
      %dma_wait3A_33 = tpu.memref_squeeze %dma_wait3A_32 : memref<1x!tpu.dma_semaphore, #tpu.memory_space<semaphore_mem>> -> memref<!tpu.dma_semaphore, #tpu.memory_space<semaphore_mem>>
      %dma_wait3A_34 = arith.constant 0 : i32
      %dma_wait3A_35 = arith.constant 0 : i32
      %dma_wait3A_36 = tpu.memref_slice %arg5[%dma_wait3A_25, %dma_wait3A_34, %dma_wait3A_35] : memref<978x1024x128xf32, #tpu.memory_space<hbm>> -> memref<1x48x128xf32, #tpu.memory_space<hbm>>
      %dma_wait3A_37 = tpu.memref_squeeze %dma_wait3A_36 : memref<1x48x128xf32, #tpu.memory_space<hbm>> -> memref<48x128xf32, #tpu.memory_space<hbm>>
      %dma_wait3A_38 = arith.constant 0 : i32
      %dma_wait3A_39 = tpu.memref_slice %arg8[%mul3A_24, %dma_wait3A_38] : memref<384x128xf32, #tpu.memory_space<vmem>> -> memref<48x128xf32, #tpu.memory_space<vmem>>
      tpu.wait_dma2 semaphore(%dma_wait3A_33 : memref<!tpu.dma_semaphore, #tpu.memory_space<semaphore_mem>>) src(%dma_wait3A_39 : memref<48x128xf32, #tpu.memory_space<vmem>>) dst(%dma_wait3A_37 : memref<48x128xf32, #tpu.memory_space<hbm>>)
    }
    %scan3A_17 = arith.constant 8 : i32
    return
  }
}

</mosaic_0001>

<sc_bundles>
// kernel: kernel.3.cloned.1.call-start
scs
__scs_entry_jumppad:
0x0: {  	(pc) =	sbr.rel $0x88, $3  }
0x1: {  	(tag) =	ssettag $0x0;
	lr =	simm.s32 $0x1  }
0x2: {  	[smem:$0x3F9E] =	sst lr;
	_ =	strace $0xD0000000  }
0x3: {  	_ = 	snop  }
0x4: {  	_ = 	snop  }
0x5: {  	_ = 	snop  }
0x6: {  	_ = 	snop  }
0x7: {  	_ = 	snop  }
__scs_overlays_trampoline_lowered:
0x8: {  	[smem:$0x3FAD] =	sst s0  }
0x9: {  	[smem:$0x3FAE] =	sst s1  }
0xa: {  	[smem:$0x3FAF] =	sst s2  }
0xb: {  	[smem:$0x3FB0] =	sst s3  }
0xc: {  	[smem:$0x3FB1] =	sst s4  }
0xd: {  	[smem:$0x3FB2] =	sst s5  }
0xe: {  	[smem:$0x3FB3] =	sst s6  }
0xf: {  	[smem:$0x3FB4] =	sst s7  }
0x10: {  	[smem:$0x3FB5] =	sst s8  }
0x11: {  	[smem:$0x3FB6] =	sst s9;
	s0 =	simm.s32 @!p0 $0x0  }
0x12: {  	s1 =	sld [smem:$0x3F9C];
	s0 =	simm.s32 @p0 $0x1  }
0x13: {  	[smem:$0x3FB7] =	sst s0;
	s0 =	simm.s32 @!p1 $0x0  }
0x14: {  	s2 =	sld [smem:$0x3F9B];
	s0 =	simm.s32 @p1 $0x1  }
0x15: {  	[smem:$0x3FB8] =	sst s0;
	s0 =	simm.s32 @!p2 $0x0  }
0x16: {  	s3 =	sld [smem:$0x3FDB];
	s0 =	simm.s32 @p2 $0x1  }
0x17: {  	s4 =	simm.s32 $0x1BF5;
	[smem:$0x3FBA] =	sst s0  }
0x18: {  	s0 =	sld [smem:$0x3F9D];
	_ =	swait.ge [sflag:s4], $0x0  }
0x19: {  	s7 =	sld [smem:$0x3F9E]  }
0x1a: {  	s8 =	sadd.s32 $0xFFFFE003, lr  }
0x1b: {  	s9 =	sadd.s32 $0xFFFFFEF7, lr;
	s5 =	simm.s32 $0xFFFFFFFF;
	p2 =	slt.u32 s8, $0xFFFFF086  }
0x1c: {  	p1 =	slt.u32 s9, $0xF7A;
	s5 =	simm.s32 @!p2 $0x0  }
0x1d: {  	s5 =	simm.s32 @p1 $0x1;
	p0 =	seq.s32 s7, s2  }
0x1e: {  	s7 =	smul.u32 @!p0 $0xF7A, s2;
	p2 =	seq.s32 @!p0 s5, $0x0  }
0x1f: {  	s9 =	smul.u32 $0xF7A, s1;
	s8 =	simm.s32 @!p0 $0x1BF5;
	p2 =	por !p2, p0  }
0x20: {  	[sflag:s8] =	ssyncset.s32 @!p0 $0xFFFFF086;
	s6 =	sadd.s32 @!p0 s3, s7;
	s7 =	simm.s32 @!p0 $0x108  }
0x21: {  	s3 =	sadd.s32 s3, s9;
	s6 =	sadd.s32 @!p0 $0x88, s6;
	s7 =	simm.s32 @p2 $0x1082  }
0x22: {  	[simem:s7], [sflag:s8] =	dma.local @!p0 [hbm:s6], $0xF7A  }
0x23: {  	s9 =	sor.u32 $0xD0000000, s2;
	s6 =	simm.s32 $0x108;
	_ =	swait.ge @!p0 [sflag:s8], $0x0  }
0x24: {  	s3 =	sadd.s32 $0x88, s3;
	s6 =	simm.s32 @!p1 $0x1082;
	[sflag:s4] =	ssyncset.s32 $0xFFFFF086  }
0x25: {  	[simem:s6], [sflag:s4] =	dma.local [hbm:s3], $0xF7A  }
0x26: {  	[smem:$0x3F9E] =	sst s1;
	(tag) =	ssettag s2;
	_ =	strace s9  }
0x27: {  	s1 =	sld [smem:$0x3FAE]  }
0x28: {  	s2 =	sld [smem:$0x3FAF]  }
0x29: {  	s4 =	sld [smem:$0x3FB1]  }
0x2a: {  	p0 =	seq.s32 s5, $0x0;
	s5 =	sld [smem:$0x3FB2]  }
0x2b: {  	s6 =	sld [smem:$0x3FB3]  }
0x2c: {  	s7 =	sld [smem:$0x3FB4]  }
0x2d: {  	s3 =	simm.s32 $0x108;
	s8 =	sld [smem:$0x3FB5]  }
0x2e: {  	s3 =	simm.s32 @!p0 $0x1082;
	s9 =	sld [smem:$0x3FB6]  }
0x2f: {  	lr =	sadd.s32 s0, s3;
	s0 =	sld [smem:$0x3FAD]  }
0x30: {  	s3 =	sld [smem:$0x3FB0]  }
0x31: {  	[smem:$0x3FB9] =	sst s10  }
0x32: {  	s10 =	sld [smem:$0x3FB7];
	_ =	sdelay $0x3  }
0x33: {  	p0 =	seq.s32 s10, $0x1;
	s10 =	sld [smem:$0x3FB9];
	_ =	sdelay $0x3  }
0x34: {  	[smem:$0x3FB9] =	sst s10  }
0x35: {  	s10 =	sld [smem:$0x3FB8];
	_ =	sdelay $0x3  }
0x36: {  	p1 =	seq.s32 s10, $0x1;
	s10 =	sld [smem:$0x3FB9];
	_ =	sdelay $0x3  }
0x37: {  	[smem:$0x3FB9] =	sst s10  }
0x38: {  	s10 =	sld [smem:$0x3FBA]  }
0x39: {  	_ = 	snop;
	(pc) =	sbr.ind lr, $3  }
0x3a: {  	_ = 	snop  }
0x3b: {  	_ = 	snop  }
0x3c: {  	p2 =	seq.s32 s10, $0x1;
	s10 =	sld [smem:$0x3FB9]  }
0x3d: {  	_ =	shalt  }
0x3e: {  	_ =	shalt  }
0x3f: {  	_ =	shalt  }
0x40: {  	_ =	shalt  }
0x41: {  	_ =	shalt  }
0x42: {  	_ =	shalt  }
0x43: {  	_ =	shalt  }
0x44: {  	_ =	shalt  }
0x45: {  	_ =	shalt  }
0x46: {  	_ =	shalt  }
0x47: {  	_ =	shalt  }
0x48: {  	_ =	shalt  }
0x49: {  	_ =	shalt  }
0x4a: {  	_ =	shalt  }
0x4b: {  	_ =	shalt  }
0x4c: {  	_ =	shalt  }
0x4d: {  	_ =	shalt  }
0x4e: {  	_ =	shalt  }
0x4f: {  	_ =	shalt  }
0x50: {  	_ =	shalt  }
0x51: {  	_ =	shalt  }
0x52: {  	_ =	shalt  }
0x53: {  	_ =	shalt  }
0x54: {  	_ =	shalt  }
0x55: {  	_ =	shalt  }
0x56: {  	_ =	shalt  }
0x57: {  	_ =	shalt  }
0x58: {  	_ =	shalt  }
0x59: {  	_ =	shalt  }
0x5a: {  	_ =	shalt  }
0x5b: {  	_ =	shalt  }
0x5c: {  	_ =	shalt  }
0x5d: {  	_ =	shalt  }
0x5e: {  	_ =	shalt  }
0x5f: {  	_ =	shalt  }
0x60: {  	_ =	shalt  }
0x61: {  	_ =	shalt  }
0x62: {  	_ =	shalt  }
0x63: {  	_ =	shalt  }
0x64: {  	_ =	shalt  }
0x65: {  	_ =	shalt  }
0x66: {  	_ =	shalt  }
0x67: {  	_ =	shalt  }
0x68: {  	_ =	shalt  }
0x69: {  	_ =	shalt  }
0x6a: {  	_ =	shalt  }
0x6b: {  	_ =	shalt  }
0x6c: {  	_ =	shalt  }
0x6d: {  	_ =	shalt  }
0x6e: {  	_ =	shalt  }
0x6f: {  	_ =	shalt  }
0x70: {  	_ =	shalt  }
0x71: {  	_ =	shalt  }
0x72: {  	_ =	shalt  }
0x73: {  	_ =	shalt  }
0x74: {  	_ =	shalt  }
0x75: {  	_ =	shalt  }
0x76: {  	_ =	shalt  }
0x77: {  	_ =	shalt  }
0x78: {  	_ =	shalt  }
0x79: {  	_ =	shalt  }
0x7a: {  	_ =	shalt  }
0x7b: {  	_ =	shalt  }
0x7c: {  	_ =	shalt  }
0x7d: {  	_ =	shalt  }
0x7e: {  	_ =	shalt  }
0x7f: {  	_ =	shalt  }
0x80: {  	_ =	shalt  }
0x81: {  	_ =	shalt  }
0x82: {  	_ =	shalt  }
0x83: {  	_ =	shalt  }
0x84: {  	_ =	shalt  }
0x85: {  	_ =	shalt  }
0x86: {  	_ =	shalt  }
0x87: {  	_ =	shalt  }
.Lfunc_end0:
.L_simem_size_0:
called_computation_lowered:
.L_overlay_start_0:
0x88: {  	s2 =	sld [smem:$0x3FD9]  }
0x89: {  	s3 =	sld [smem:$0x3FFE];
	_ =	sdelay $0x1  }
0x8a: {  	s1 =	srdreg.scid  }
0x8b: {  	s0 =	sand.u32 $0x1, s1  }
0x8c: {  	s17 =	sshll.u32 s0, $0xA;
	s2 =	sadd.s32 s3, s2  }
0x8d: {  	s2 =	sadd.s32 s2, s17  }
0x8e: {  	[smem:$0x3FC5] =	sst s2  }
0x8f: {  	_ = 	snop  }
0x90: {  	s2 =	sld [smem:$0x3FC7]  }
0x91: {  	s18 =	sld [smem:$0x3FD0];
	(tm) =	ssettm $0x1  }
0x92: {  	s4 =	sld [smem:$0x3FFB];
	_ =	sdelay $0x3  }
0x93: {  	_ =	strace s4  }
0x94: {  	s4 =	sld [smem:$0x3FFC];
	_ =	sdelay $0x3  }
0x95: {  	_ =	strace s4  }
0x96: {  	s4 =	sld [smem:$0x3FFD];
	_ =	sdelay $0x3  }
0x97: {  	_ =	strace s4  }
0x98: {  	_ =	strace $0x8FFFFFFF  }
0x99: {  	s19 =	sld [smem:$0x3FDB];
	_ =	sdelay $0x1  }
0x9a: {  	s5 =	simm.s32 $_scs_section_size  }
0x9b: {  	s6 =	simm.s32 $_size__tile_overlayer_lowered;
	s7 =	simm.s32 $_tile_overlayer_lowered  }
0x9c: {  	s22 =	simm.s32 $0x1BFF;
	s21 =	sshll.u32 s7, $0x1;
	s4 =	sadd.s32 s5, s19  }
0x9d: {  	s8 =	simm.s32 $0x0;
	s20 =	sshll.u32 s6, $0x1;
	s6 =	sadd.s32 s21, s4  }
0x9e: {  	[timem:s8], [sflag:s22] =	dma.local [hbm:s6], s20  }
0x9f: {  	_ =	swait.ge [sflag:s22], s20  }
0xa0: {  	s5 =	ssub.s32 $0x0, s20;
	[sflag:s22] =	ssyncset.done $0x0  }
0xa1: {  	[sflag:s22] =	ssyncadd.s32 s5;
	_ =	sdelay $0x1  }
0xa2: {  	s23 =	simm.s32 $0x1B8B  }
0xa3: {  	_ =	swait.ge [sflag:s23], $0x1  }
0xa4: {  	[sflag:s23] =	ssyncset.done $0x0  }
0xa5: {  	s25 =	simm.s32 $0x1B8E;
	s24 =	sld [smem:$0x3FFE];
	[sflag:s23] =	ssyncadd.s32 $0xFFFFFFFF  }
0xa6: {  	s26 =	simm.s32 $execute0_lowered;
	[smem:$0x3FD2] =	sst s25  }
0xa7: {  	s6 =	sshll.u32 s26, $0x1;
	_ =	strace $0x80000046;
	[dreg:$0x1] =	wrdreg $0xFFFFFFFF  }
0xa8: {  	s28 =	simm.s32 $_size_execute0_lowered;
	s4 =	sadd.s32 s4, s6;
	[dreg:$0x0] =	wrdreg $0x0  }
0xa9: {  	s6 =	sshll.u32 s28, $0x1;
	[dreg:$0x2] =	wrdreg s4  }
0xaa: {  	[dreg:$0x3] =	wrdreg s6  }
0xab: {  	[dreg:$0x4] =	wrdreg $0xC0  }
0xac: {  	_ =	task [dreg:s8], $0x5FFFF  }
0xad: {  	[dreg:$0x1] =	wrdreg $0xFFFFFFFF  }
0xae: {  	[dreg:$0x0] =	wrdreg $0x60  }
0xaf: {  	[dreg:$0x2] =	wrdreg s2  }
0xb0: {  	[dreg:$0x3] =	wrdreg s24  }
0xb1: {  	[dreg:$0x4] =	wrdreg s18  }
0xb2: {  	[dreg:$0x5] =	wrdreg $0x9  }
0xb3: {  	_ =	task.clear_ibuf [dreg:s8], $0x6FFFF;
	_ =	strace $0x90000046  }
0xb4: {  	s29 =	simm.s32 $0x9;
	_ =	strace $0x80000048  }
0xb5: {  	_ =	swait.ge [sflag:s29], $0x1  }
0xb6: {  	[sflag:s29] =	ssyncadd.s32 $0xFFFFFFFF  }
0xb7: {  	_ =	strace $0x90000048  }
0xb8: {  	_ =	sfence  }
0xb9: {  	s30 =	sld [smem:$0x0];
	_ =	sdelay $0x2  }
0xba: {  	s31 =	sshll.u32 s1, $0xD;
	s1 =	sshrl.u32 s1, $0x2  }
0xbb: {  	s3 =	sand.u32 $0x4000, s31;
	s1 =	sadd.s32 s1, s30  }
0xbc: {  	s0 =	sor.u32 s3, s0;
	s1 =	sshll.u32 s1, $0x11  }
0xbd: {  	s0 =	sor.u32 s1, s0  }
0xbe: {  	s0 =	sadd.s32 $0x8F2B, s0  }
0xbf: {  	[sflag:s0] =	ssyncadd.remote.s32 $0x1  }
0xc0: {  	_ =	sfence.sel $0xFFFF  }
0xc1: {  	[dreg:$0x0] =	wrdreg $0xFFFFFFFF;
	(pc) =	sbr.abs _section_cstart, $3  }
0xc2: {  	[dreg:$0x1] =	wrdreg $0xFFFFFFFF  }
0xc3: {  	_ =	task.clear_ibuf [dreg:s8], $0x2FFFF;
	_ =	strace $0x9FFFFFFF  }
0xc4: {  	(tm) =	ssettm $0x7FFFFFFF  }
0xc5: {  	_ =	shalt  }
tec
execute0_lowered:
.L_overlay_start_1:
0x0: {  	(tag) =	ssettag $0x1  }
0x1: {  	s0 =	srdreg.scid;
	s2 =	stileid.u32  }
0x2: {  	s0 =	sand.u32 $0x1, s0;
	s2 =	sshll.u32 s2, $0x1  }
0x3: {  	s1 =	rddreg [dreg:$0x0];
	s2 =	sor.u32 s0, s2  }
0x4: {  	s6 =	rddreg [dreg:$0x1];
	s0 =	ssub.s32 $0x2, s0;
	s4 =	smul.u32 $0x7A40, s2  }
0x5: {  	s3 =	rddreg [dreg:$0x2];
	s5 =	simm.s32 $0x0;
	s30 =	sshrl.u32 s0, $0x1  }
.Ltmp0:
0x6: {  	s0 =	ssub.s32 s0, s30;
	s2 =	sshrl.u32 s4, $0x3;
	(pc) =	sbr.rel .LBB2_1-.Ltmp0, $4  }
0x7: {  	[smem:$0x7FF] =	sst s5;
	s0 =	smax.u32 s0, $0x1;
	s2 =	sadd.s32 s2, s6  }
0x8: {  	_ =	strace $0x80000047;
	[dreg:$0x7] =	wrdreg s0;
	s31 =	sadd.s32 $0x1F000, s2  }
0x9: {  	s9 =	simm.s32 $0x7A40;
	v0 =	vimm.s32 $0x0;
	vm0 =	vcmask $0x300;
	s2 =	sadd.s32 $0x600, s2;
	[dreg:$0x5] =	wrdreg s31  }
0xa: {  	s12 =	simm.s32 $0x30;
	v0 =	vsel vm0, $0x3, v0;
	s6 =	simm.s32 $0x0;
	[dreg:$0x6] =	wrdreg s2  }
.LBB2_10:
0xb: {  	s0 =	simm.s32 $0xB  }
0xc: {  	_ =	swait.ge [sflag:s0], $0x1800  }
0xd: {  	[sflag:s0] =	ssyncset.done $0x0  }
0xe: {  	s24 =	simm.s32 $0xC;
	[sflag:s0] =	ssyncadd.s32 $0xFFFFE800  }
0xf: {  	_ =	swait.ge [sflag:s24], $0x1800  }
0x10: {  	[sflag:s24] =	ssyncset.done $0x0  }
0x11: {  	s25 =	simm.s32 $0xD;
	[sflag:s24] =	ssyncadd.s32 $0xFFFFE800  }
0x12: {  	_ =	swait.ge [sflag:s25], $0x1800  }
0x13: {  	[sflag:s25] =	ssyncset.done $0x0  }
0x14: {  	s26 =	simm.s32 $0xE;
	[sflag:s25] =	ssyncadd.s32 $0xFFFFE800  }
0x15: {  	_ =	swait.ge [sflag:s26], $0x1800  }
0x16: {  	[sflag:s26] =	ssyncset.done $0x0  }
0x17: {  	s28 =	simm.s32 $0xF;
	[sflag:s26] =	ssyncadd.s32 $0xFFFFE800  }
0x18: {  	_ =	swait.ge [sflag:s28], $0x1800  }
0x19: {  	[sflag:s28] =	ssyncset.done $0x0  }
0x1a: {  	s29 =	simm.s32 $0x10;
	[sflag:s28] =	ssyncadd.s32 $0xFFFFE800  }
0x1b: {  	_ =	swait.ge [sflag:s29], $0x1800  }
0x1c: {  	[sflag:s29] =	ssyncset.done $0x0  }
0x1d: {  	s30 =	simm.s32 $0x11;
	[sflag:s29] =	ssyncadd.s32 $0xFFFFE800  }
0x1e: {  	_ =	swait.ge [sflag:s30], $0x1800  }
0x1f: {  	[sflag:s30] =	ssyncset.done $0x0  }
0x20: {  	s2 =	simm.s32 $0x12;
	[sflag:s30] =	ssyncadd.s32 $0xFFFFE800  }
0x21: {  	_ =	swait.ge [sflag:s2], $0x1800  }
0x22: {  	s6 =	rddreg [dreg:$0x8]  }
0x23: {  	s31 =	rddreg [dreg:$0x7];
	s6 =	sadd.s32 $0x1, s6  }
0x24: {  	p0 =	sne.s32 s6, s31  }
.Ltmp1:
0x25: {  	_ = 	snop;
	(pc) =	sbr.rel @!p0 .LBB2_11-.Ltmp1, $3  }
0x26: {  	_ =	sdelay $0x1  }
0x27: {  	[sflag:s2] =	ssyncset.done $0x0  }
0x28: {  	[sflag:s2] =	ssyncadd.s32 $0xFFFFE800  }
.LBB2_1:
0x29: {  	[dreg:$0x8] =	wrdreg s6  }
0x2a: {  	s0 =	rddreg [dreg:$0x5]  }
0x2b: {  	[tilespmem:s5], [sflag:$0x1] =	stream.linear.gather [hbm4b:s0+s5], $0x7A40, $0x38;
	[tilespmem:$0x1B480] =	vst v63  }
0x2c: {  	s29 =	rddreg [dreg:$0x6];
	s30 =	simm.s32 $0x1  }
0x2d: {  	[tilespmem:s9], [sflag:$0x2] =	stream.linear.gather [hbm4b:s29+s5], $0x7A40, $0x38;
	[tilespmem:$0x1B480] =	vst v63  }
0x2e: {  	_ =	swait.ge [sflag:s30], $0x7A40  }
.Ltmp2:
0x2f: {  	[sflag:s30] =	ssyncset.done $0x0;
	(pc) =	sbr.rel .LBB2_2-.Ltmp2, $4  }
0x30: {  	s31 =	simm.s32 $0x2;
	[sflag:s30] =	ssyncadd.s32 $0xFFFF85C0  }
0x31: {  	_ =	swait.ge [sflag:s31], $0x7A40  }
0x32: {  	[sflag:s31] =	ssyncset.done $0x0  }
0x33: {  	s22 =	simm.s32 $0x0;
	[sflag:s31] =	ssyncadd.s32 $0xFFFF85C0  }
.LBB2_8:
0x34: {  	v11 =	vld [tilespmem:s28+$0xF4C0];
	[tilespmem:s29+$0xF4C0] =	vst v10;
	v3 =	vmul.f32 v8, v3  }
0x35: {  	v7 =	vmul.f32 v7, v2;
	v54 =	vld [tilespmem:s28+$0xF4D0];
	[tilespmem:s29+$0xF4D0] =	vst v9  }
0x36: {  	v6 =	vmul.f32 v6, v2;
	v55 =	vld [tilespmem:s28+$0xF4E0];
	[tilespmem:s29+$0xF4E0] =	vst v3  }
0x37: {  	v5 =	vmul.f32 v5, v2;
	v3 =	vld [tilespmem:s25+$0xF480];
	[tilespmem:s28+$0xF480] =	vst v7  }
0x38: {  	v56 =	vld [tilespmem:s25+$0xF490];
	v4 =	vmul.f32 v4, v2;
	[tilespmem:s28+$0xF490] =	vst v6  }
0x39: {  	v57 =	vld [tilespmem:s25+$0xF4A0];
	[tilespmem:s28+$0xF4A0] =	vst v5;
	v58 =	vmul.f32 v11, v2  }
0x3a: {  	v59 =	vld [tilespmem:s25+$0xF4B0];
	[tilespmem:s28+$0xF4B0] =	vst v4;
	v60 =	vmul.f32 v54, v2  }
0x3b: {  	v61 =	vld [tilespmem:s25+$0xF4C0];
	v2 =	vmul.f32 v55, v2;
	[tilespmem:s28+$0xF4C0] =	vst v58  }
0x3c: {  	v62 =	vld [tilespmem:s25+$0xF4D0];
	[tilespmem:s28+$0xF4D0] =	vst v60;
	v3 =	vmul.f32 v3, v1  }
0x3d: {  	v63 =	vld [tilespmem:s25+$0xF4E0];
	[tilespmem:s28+$0xF4E0] =	vst v2;
	v2 =	vmul.f32 v56, v1  }
0x3e: {  	[tilespmem:s25+$0xF480] =	vst v3;
	v3 =	vmul.f32 v57, v1  }
0x3f: {  	[tilespmem:s25+$0xF490] =	vst v2;
	v2 =	vmul.f32 v59, v1  }
0x40: {  	[tilespmem:s25+$0xF4A0] =	vst v3;
	v3 =	vmul.f32 v61, v1  }
0x41: {  	s0 =	sadd.s32 s4, s24;
	s2 =	smul.u32 $0x6000, s23;
	[tilespmem:s25+$0xF4B0] =	vst v2;
	v2 =	vmul.f32 v62, v1  }
0x42: {  	s0 =	sshll.u32 s0, $0x4;
	v1 =	vmul.f32 v63, v1;
	[tilespmem:s25+$0xF4C0] =	vst v3  }
0x43: {  	s0 =	sand.u32 $0xFFFFF00, s0;
	s2 =	sshrl.u32 s2, $0x2;
	[tilespmem:s25+$0xF4D0] =	vst v2  }
0x44: {  	s6 =	sadd.s32 $0xB, s23;
	s0 =	sadd.s32 s3, s0;
	s2 =	sadd.s32 $0xF480, s2;
	[tilespmem:s25+$0xF4E0] =	vst v1  }
0x45: {  	[hbm4b:s0+s5] =	stream.linear.scatter [tilespmem:s2], [sflag:s6], $0x1800, $0x38;
	[tilespmem:$0x1B480] =	vst v63  }
.LBB2_9:
0x46: {  	s22 =	sadd.s32 $0x1, s22  }
0x47: {  	p0 =	sne.s32 s22, $0x292  }
.Ltmp3:
0x48: {  	_ = 	snop;
	(pc) =	sbr.rel @!p0 .LBB2_10-.Ltmp3, $1  }
0x49: {  	_ =	sdelay $0x3  }
.LBB2_2:
0x4a: {  	p0 =	sgt.u32 s22, $0x28B  }
.Ltmp4:
0x4b: {  	_ = 	snop;
	(pc) =	sbr.rel @p0 .LBB2_6-.Ltmp4, $1  }
0x4c: {  	_ =	sdelay $0x3  }
0x4d: {  	p0 =	slt.u32 s22, $0x8  }
.Ltmp5:
0x4e: {  	_ = 	snop;
	(pc) =	sbr.rel @p0 .LBB2_5-.Ltmp5, $2  }
0x4f: {  	_ =	sdelay $0x2  }
0x50: {  	s0 =	sand.u32 $0x7, s22  }
0x51: {  	s6 =	smul.u32 $0x6000, s0  }
.Ltmp6:
0x52: {  	s2 =	sadd.s32 $0xB, s0;
	(pc) =	sbr.rel .LBB2_6-.Ltmp6, $4  }
0x53: {  	s7 =	smul.u32 $0xC0, s22;
	_ =	swait.ge [sflag:s2], $0x1800  }
0x54: {  	s31 =	sadd.s32 $0x3, s0;
	[sflag:s2] =	ssyncset.done $0x0;
	s29 =	sshrl.u32 s6, $0x2  }
0x55: {  	s30 =	sshra.s32 s7, $0x2;
	[sflag:s2] =	ssyncadd.s32 $0xFFFFE800;
	s2 =	sadd.s32 $0xF480, s29  }
0x56: {  	[tilespmem:s2], [sflag:s31] =	stream.indirect.gather [hbm4b:s1+s12], $0x80, s30, s12, $0xb8;
	[tilespmem:$0x1B480] =	vst v63  }
.LBB2_5:
0x57: {  	s2 =	smul.u32 $0x6000, s0;
	p0 =	slt.u32 s22, $0x6  }
.Ltmp7:
0x58: {  	_ = 	snop;
	(pc) =	sbr.rel @p0 .LBB2_9-.Ltmp7, $4  }
0x59: {  	s6 =	smul.u32 $0xC0, s22  }
0x5a: {  	s2 =	sshrl.u32 s2, $0x2  }
0x5b: {  	s31 =	sadd.s32 $0x3, s0;
	s6 =	sshra.s32 s6, $0x2;
	s2 =	sadd.s32 $0xF480, s2  }
0x5c: {  	[tilespmem:s2], [sflag:s31] =	stream.indirect.gather [hbm4b:s1+s12], $0x80, s6, s12, $0xb8;
	[tilespmem:$0x1B480] =	vst v63  }
.LBB2_6:
0x5d: {  	s0 =	sadd.s32 $0xFFFFFFFA, s22  }
0x5e: {  	s23 =	sand.u32 $0x7, s0;
	s24 =	smul.u32 $0x30, s0  }
0x5f: {  	s6 =	sadd.s32 $0x3, s23;
	s2 =	smul.u32 $0x30, s23  }
0x60: {  	_ =	swait.ge [sflag:s6], $0x1800  }
0x61: {  	[sflag:s6] =	ssyncset.done $0x0;
	s11 =	sadd.s32 $0x30, s2;
	s26 =	ssub.s32 s24, s2  }
0x62: {  	s14 =	sor.u32 $0x8, s2;
	s7 =	sor.u32 $0xF, s2;
	s8 =	sor.u32 $0xE, s2  }
0x63: {  	s10 =	sor.u32 $0xD, s2;
	s18 =	sshll.u32 s2, $0x7;
	s20 =	sor.u32 $0xB, s2  }
0x64: {  	[sflag:s6] =	ssyncadd.s32 $0xFFFFE800;
	[dreg:$0x4] =	wrdreg s11;
	s13 =	sadd.s32 s26, s2  }
0x65: {  	s15 =	sadd.s32 s26, s14;
	s16 =	sadd.s32 s26, s7;
	s17 =	sadd.s32 s26, s8  }
0x66: {  	s11 =	sadd.s32 s26, s10;
	s25 =	sand.u32 $0x3FFFFF80, s18;
	s0 =	sshll.u32 s14, $0x7  }
0x67: {  	s21 =	sadd.s32 s26, s20;
	s31 =	sshll.u32 s7, $0x7;
	s14 =	sor.u32 $0xA, s2  }
0x68: {  	s7 =	sshll.u32 s8, $0x7;
	s10 =	sshll.u32 s10, $0x7;
	s20 =	sshll.u32 s20, $0x7  }
0x69: {  	v1 =	vmov s13;
	s13 =	sor.u32 $0xC, s2;
	v10 =	vld [tilespmem:s25+$0xF4F0];
	s28 =	sand.u32 $0x3FFFFF80, s0;
	s29 =	sand.u32 $0x3FFFFF80, s31  }
0x6a: {  	v2 =	vmov s15;
	v3 =	vmov s16;
	s6 =	sadd.s32 s26, s14;
	s15 =	sor.u32 $0x9, s2;
	s0 =	sand.u32 $0x3FFFFF80, s7;
	v12 =	vld [tilespmem:s28+$0xF4F0]  }
0x6b: {  	v4 =	vmov s17;
	v5 =	vmov s11;
	v7 =	vmov s21;
	s16 =	sor.u32 $0x7, s2;
	s31 =	sshll.u32 s14, $0x7;
	s19 =	sadd.s32 s26, s13;
	v13 =	vld [tilespmem:s29+$0xF4F0]  }
0x6c: {  	v1 =	vshrl.u32 v1, $0x3;
	v2 =	vshrl.u32 v2, $0x3;
	v8 =	vmov s6;
	s8 =	sadd.s32 s26, s15;
	v14 =	vld [tilespmem:s0+$0xF4F0];
	s6 =	sand.u32 $0x3FFFFF80, s10;
	s17 =	sadd.s32 s26, s16  }
0x6d: {  	v3 =	vshrl.u32 v3, $0x3;
	v4 =	vshrl.u32 v4, $0x3;
	v5 =	vshrl.u32 v5, $0x3;
	s18 =	sshll.u32 s13, $0x7;
	s13 =	sor.u32 $0x6, s2;
	s10 =	sand.u32 $0x3FFFFF80, s31;
	v15 =	vld [tilespmem:s6+$0xF4F0]  }
0x6e: {  	v7 =	vshrl.u32 v7, $0x3;
	s31 =	sshll.u32 s16, $0x7;
	v1 =	vshll.u32 v1, v0;
	v6 =	vmov s19;
	s7 =	sand.u32 $0x3FFFFF80, s18;
	s19 =	sadd.s32 s26, s13;
	v20 =	vld [tilespmem:s10+$0xF4F0]  }
0x6f: {  	v2 =	vshll.u32 v2, v0;
	v9 =	vmov s8;
	v11 =	vmov s17;
	s17 =	sor.u32 $0x5, s2;
	s8 =	sand.u32 $0x3FFFFF80, s20;
	s18 =	sor.u32 $0x4, s2;
	v16 =	vld [tilespmem:s7+$0xF4F0]  }
0x70: {  	v3 =	vshll.u32 v3, v0;
	v4 =	vshll.u32 v4, v0;
	v5 =	vshll.u32 v5, v0;
	s20 =	sshll.u32 s15, $0x7;
	s11 =	sand.u32 $0x3FFFFF80, s31;
	s13 =	sshll.u32 s13, $0x7;
	v18 =	vld [tilespmem:s8+$0xF4F0]  }
0x71: {  	v7 =	vshll.u32 v7, v0;
	v8 =	vshrl.u32 v8, $0x3;
	v1 =	vbroadcast v1, $0x0;
	s21 =	sadd.s32 s26, s17;
	s14 =	sadd.s32 s26, s18;
	s30 =	sand.u32 $0x3FFFFF80, s20;
	v57 =	vld [tilespmem:s11+$0xF4F0]  }
0x72: {  	v2 =	vbroadcast v2, $0x0;
	v3 =	vadd.s32 $0x7, v3;
	v4 =	vadd.s32 $0x6, v4;
	s20 =	sor.u32 $0x2, s2;
	s13 =	sand.u32 $0x3FFFFF80, s13;
	s17 =	sshll.u32 s17, $0x7;
	v22 =	vld [tilespmem:s30+$0xF4F0]  }
0x73: {  	v6 =	vshrl.u32 v6, $0x3;
	v5 =	vadd.s32 $0x5, v5;
	s18 =	sshll.u32 s18, $0x7;
	v21 =	vmov s14;
	s15 =	sadd.s32 s26, s20;
	v27 =	vld [tilespmem:s13+$0xF4F0];
	s14 =	sand.u32 $0x3FFFFF80, s17  }
0x74: {  	v7 =	vadd.s32 $0x3, v7;
	v8 =	vshll.u32 v8, v0;
	s20 =	sshll.u32 s20, $0x7;
	v25 =	vmov s15;
	v59 =	vld [tilespmem:s14+$0xF4F0];
	s15 =	sand.u32 $0x3FFFFF80, s18  }
0x75: {  	v9 =	vshrl.u32 v9, $0x3;
	v11 =	vshrl.u32 v11, $0x3;
	v17 =	vmov s19;
	s17 =	sand.u32 $0x3FFFFF80, s20;
	v61 =	vld [tilespmem:s15+$0xF4F0]  }
0x76: {  	v3 =	vbroadcast v3, $0x0;
	v4 =	vbroadcast v4, $0x0;
	v6 =	vshll.u32 v6, v0;
	v63 =	vld [tilespmem:s17+$0xF4F0]  }
0x77: {  	v5 =	vbroadcast v5, $0x0;
	v7 =	vbroadcast v7, $0x0;
	v8 =	vadd.s32 $0x2, v8;
	v43 =	vld [tilespmem:s17+$0xF480]  }
0x78: {  	v9 =	vshll.u32 v9, v0;
	v11 =	vshll.u32 v11, v0;
	v17 =	vshrl.u32 v17, $0x3;
	v45 =	vld [tilespmem:s17+$0xF490]  }
0x79: {  	v19 =	vmov s21;
	v6 =	vadd.s32 $0x4, v6;
	v8 =	vbroadcast v8, $0x0;
	v47 =	vld [tilespmem:s17+$0xF4A0]  }
0x7a: {  	v9 =	vadd.s32 $0x1, v9;
	v19 =	vshrl.u32 v19, $0x3;
	v6 =	vbroadcast v6, $0x0;
	v1 =	vld.idx.msk [tilespmem:v1+s9+$0x0], $0xffff  }
0x7b: {  	v11 =	vadd.s32 $0x7, v11;
	v21 =	vshrl.u32 v21, $0x3;
	v19 =	vshll.u32 v19, v0;
	v2 =	vld.idx.msk [tilespmem:v2+s9+$0x0], $0xffff  }
0x7c: {  	v9 =	vbroadcast v9, $0x0;
	v21 =	vshll.u32 v21, v0;
	v19 =	vadd.s32 $0x5, v19;
	v3 =	vld.idx.msk [tilespmem:v3+s9+$0x0], $0xffff  }
0x7d: {  	v17 =	vshll.u32 v17, v0;
	v21 =	vadd.s32 $0x4, v21;
	v19 =	vbroadcast v19, $0x0;
	v4 =	vld.idx.msk [tilespmem:v4+s9+$0x0], $0xffff  }
0x7e: {  	v11 =	vbroadcast v11, $0x0;
	v25 =	vshrl.u32 v25, $0x3;
	v21 =	vbroadcast v21, $0x0;
	v5 =	vld.idx.msk [tilespmem:v5+s9+$0x0], $0xffff  }
0x7f: {  	v17 =	vadd.s32 $0x6, v17;
	v25 =	vshll.u32 v25, v0;
	v7 =	vld.idx.msk [tilespmem:v7+s9+$0x0], $0xffff;
	v24 =	vmul.f32 v10, v1  }
0x80: {  	v17 =	vbroadcast v17, $0x0;
	v25 =	vadd.s32 $0x2, v25;
	v6 =	vld.idx.msk [tilespmem:v6+s9+$0x0], $0xffff;
	v29 =	vmul.f32 v12, v2  }
0x81: {  	s31 =	rddreg [dreg:$0x4];
	s19 =	sor.u32 $0x3, s2;
	v60 =	vbroadcast v25, $0x0;
	v8 =	vld.idx.msk [tilespmem:v8+s9+$0x0], $0xffff;
	v13 =	vmul.f32 v13, v3;
	[tilespmem:s25+$0xF4F0] =	vst v24  }
0x82: {  	s21 =	sadd.s32 s26, s19;
	v9 =	vld.idx.msk [tilespmem:v9+s9+$0x0], $0xffff;
	v14 =	vmul.f32 v14, v4;
	[tilespmem:s28+$0xF4F0] =	vst v29  }
0x83: {  	v23 =	vmov s21;
	s21 =	sor.u32 $0x1, s2;
	v12 =	vld.idx.msk [tilespmem:v19+s9+$0x0], $0xffff;
	v15 =	vmul.f32 v15, v5;
	[tilespmem:s29+$0xF4F0] =	vst v13  }
0x84: {  	s16 =	sadd.s32 s26, s21;
	v10 =	vshrl.u32 v23, $0x3;
	v21 =	vld.idx.msk [tilespmem:v21+s9+$0x0], $0xffff;
	v18 =	vmul.f32 v18, v7;
	[tilespmem:s0+$0xF4F0] =	vst v14  }
0x85: {  	v26 =	vshll.u32 v10, v0;
	v10 =	vld.idx.msk [tilespmem:v11+s9+$0x0], $0xffff;
	v11 =	vmov s16;
	v16 =	vmul.f32 v16, v6;
	[tilespmem:s6+$0xF4F0] =	vst v15  }
0x86: {  	v28 =	vshrl.u32 v11, $0x3;
	v11 =	vld.idx.msk [tilespmem:v17+s9+$0x0], $0xffff;
	v20 =	vmul.f32 v20, v8;
	[tilespmem:s8+$0xF4F0] =	vst v18  }
0x87: {  	v26 =	vadd.s32 $0x3, v26;
	v22 =	vmul.f32 v22, v9;
	[tilespmem:s7+$0xF4F0] =	vst v16;
	v16 =	vld.idx.msk [tilespmem:v60+s9+$0x0], $0xffff  }
0x88: {  	v49 =	vld [tilespmem:s17+$0xF4B0];
	v26 =	vbroadcast v26, $0x0;
	[tilespmem:s10+$0xF4F0] =	vst v20;
	v33 =	vmul.f32 v59, v12  }
0x89: {  	v51 =	vld [tilespmem:s17+$0xF4C0];
	[tilespmem:s30+$0xF4F0] =	vst v22;
	v19 =	vmul.f32 v61, v21  }
0x8a: {  	s21 =	sshll.u32 s21, $0x7;
	v53 =	vld [tilespmem:s17+$0xF4D0];
	v29 =	vmul.f32 v57, v10;
	[tilespmem:s14+$0xF4F0] =	vst v33  }
0x8b: {  	s19 =	sshll.u32 s19, $0x7;
	v55 =	vld [tilespmem:s17+$0xF4E0];
	s18 =	sand.u32 $0x3FFFFF80, s21;
	v31 =	vmul.f32 v27, v11;
	[tilespmem:s15+$0xF4F0] =	vst v19  }
0x8c: {  	v30 =	vld [tilespmem:s18+$0xF4F0];
	s16 =	sand.u32 $0x3FFFFF80, s19;
	[tilespmem:s11+$0xF4F0] =	vst v29;
	v15 =	vmul.f32 v63, v16  }
0x8d: {  	v62 =	vld [tilespmem:s16+$0xF4F0];
	[tilespmem:s13+$0xF4F0] =	vst v31;
	v52 =	vmul.f32 v43, v16  }
0x8e: {  	v14 =	vld.idx.msk [tilespmem:v26+s9+$0x0], $0xffff;
	v54 =	vmul.f32 v45, v16;
	[tilespmem:s17+$0xF4F0] =	vst v15  }
0x8f: {  	v32 =	vld [tilespmem:s18+$0xF480];
	v58 =	vshll.u32 v28, v0;
	v56 =	vmul.f32 v47, v16;
	[tilespmem:s17+$0xF480] =	vst v52  }
0x90: {  	v17 =	vadd.s32 $0x1, v58;
	v57 =	vld [tilespmem:s16+$0xF480];
	v58 =	vmul.f32 v49, v16;
	[tilespmem:s17+$0xF490] =	vst v54  }
0x91: {  	v59 =	vld [tilespmem:s16+$0xF490];
	v60 =	vmul.f32 v51, v16;
	[tilespmem:s17+$0xF4A0] =	vst v56  }
0x92: {  	v17 =	vbroadcast v17, $0x0;
	v61 =	vld [tilespmem:s16+$0xF4A0];
	v23 =	vmul.f32 v55, v16;
	[tilespmem:s17+$0xF4B0] =	vst v58  }
0x93: {  	v24 =	vld [tilespmem:s16+$0xF4C0];
	[tilespmem:s17+$0xF4C0] =	vst v60;
	v13 =	vmul.f32 v62, v14  }
0x94: {  	v63 =	vld [tilespmem:s16+$0xF4B0];
	[tilespmem:s17+$0xF4E0] =	vst v23;
	v62 =	vmul.f32 v53, v16  }
0x95: {  	v47 =	vld [tilespmem:s14+$0xF4A0];
	v25 =	vmul.f32 v57, v14;
	[tilespmem:s16+$0xF4F0] =	vst v13  }
0x96: {  	v49 =	vld [tilespmem:s14+$0xF4B0];
	v27 =	vmul.f32 v59, v14;
	[tilespmem:s17+$0xF4D0] =	vst v62  }
0x97: {  	v51 =	vld [tilespmem:s14+$0xF4C0];
	v29 =	vmul.f32 v61, v14;
	[tilespmem:s16+$0xF480] =	vst v25  }
0x98: {  	v17 =	vld.idx.msk [tilespmem:v17+s9+$0x0], $0xffff;
	v33 =	vmul.f32 v24, v14;
	[tilespmem:s16+$0xF490] =	vst v27  }
0x99: {  	v34 =	vld [tilespmem:s18+$0xF490];
	v31 =	vmul.f32 v63, v14;
	[tilespmem:s16+$0xF4A0] =	vst v29  }
0x9a: {  	v35 =	vld [tilespmem:s18+$0xF4A0];
	v56 =	vmul.f32 v47, v12;
	[tilespmem:s16+$0xF4C0] =	vst v33  }
0x9b: {  	v36 =	vld [tilespmem:s18+$0xF4B0];
	v58 =	vmul.f32 v49, v12;
	[tilespmem:s16+$0xF4B0] =	vst v31  }
0x9c: {  	v37 =	vld [tilespmem:s18+$0xF4C0];
	v60 =	vmul.f32 v51, v12;
	[tilespmem:s14+$0xF4A0] =	vst v56  }
0x9d: {  	v39 =	vld [tilespmem:s18+$0xF4D0];
	v20 =	vmul.f32 v30, v17;
	[tilespmem:s14+$0xF4B0] =	vst v58  }
0x9e: {  	v41 =	vld [tilespmem:s18+$0xF4E0];
	v38 =	vmul.f32 v32, v17;
	[tilespmem:s14+$0xF4C0] =	vst v60  }
0x9f: {  	v28 =	vld [tilespmem:s16+$0xF4E0];
	v40 =	vmul.f32 v34, v17;
	[tilespmem:s18+$0xF4F0] =	vst v20  }
0xa0: {  	v26 =	vld [tilespmem:s16+$0xF4D0];
	v42 =	vmul.f32 v35, v17;
	[tilespmem:s18+$0xF480] =	vst v38  }
0xa1: {  	v23 =	vld [tilespmem:s13+$0xF4D0];
	v44 =	vmul.f32 v36, v17;
	[tilespmem:s18+$0xF490] =	vst v40  }
0xa2: {  	v53 =	vld [tilespmem:s14+$0xF4D0];
	v46 =	vmul.f32 v37, v17;
	[tilespmem:s18+$0xF4A0] =	vst v42  }
0xa3: {  	v57 =	vld [tilespmem:s13+$0xF480];
	v48 =	vmul.f32 v39, v17;
	[tilespmem:s18+$0xF4B0] =	vst v44  }
0xa4: {  	v59 =	vld [tilespmem:s13+$0xF490];
	v50 =	vmul.f32 v41, v17;
	[tilespmem:s18+$0xF4C0] =	vst v46  }
0xa5: {  	v61 =	vld [tilespmem:s13+$0xF4A0];
	v35 =	vmul.f32 v26, v14;
	[tilespmem:s18+$0xF4D0] =	vst v48  }
0xa6: {  	v63 =	vld [tilespmem:s13+$0xF4B0];
	v37 =	vmul.f32 v28, v14;
	[tilespmem:s18+$0xF4E0] =	vst v50  }
0xa7: {  	v30 =	vld [tilespmem:s15+$0xF480];
	v31 =	vmul.f32 v23, v11;
	[tilespmem:s16+$0xF4D0] =	vst v35  }
0xa8: {  	v32 =	vld [tilespmem:s15+$0xF490];
	[tilespmem:s16+$0xF4E0] =	vst v37;
	v62 =	vmul.f32 v53, v12  }
0xa9: {  	v34 =	vld [tilespmem:s15+$0xF4A0];
	v22 =	vmul.f32 v57, v11;
	[tilespmem:s13+$0xF4D0] =	vst v31  }
0xaa: {  	v36 =	vld [tilespmem:s15+$0xF4B0];
	v24 =	vmul.f32 v59, v11;
	[tilespmem:s14+$0xF4D0] =	vst v62  }
0xab: {  	v27 =	vld [tilespmem:s11+$0xF480];
	v26 =	vmul.f32 v61, v11;
	[tilespmem:s13+$0xF480] =	vst v22  }
0xac: {  	v38 =	vld [tilespmem:s15+$0xF4C0];
	v28 =	vmul.f32 v63, v11;
	[tilespmem:s13+$0xF490] =	vst v24  }
0xad: {  	v40 =	vld [tilespmem:s15+$0xF4D0];
	v39 =	vmul.f32 v30, v21;
	[tilespmem:s13+$0xF4A0] =	vst v26  }
0xae: {  	v42 =	vld [tilespmem:s15+$0xF4E0];
	v41 =	vmul.f32 v32, v21;
	[tilespmem:s13+$0xF4B0] =	vst v28  }
0xaf: {  	v55 =	vld [tilespmem:s14+$0xF4E0];
	v43 =	vmul.f32 v34, v21;
	[tilespmem:s15+$0xF480] =	vst v39  }
0xb0: {  	v44 =	vld [tilespmem:s14+$0xF480];
	v45 =	vmul.f32 v36, v21;
	[tilespmem:s15+$0xF490] =	vst v41  }
0xb1: {  	v46 =	vld [tilespmem:s14+$0xF490];
	v34 =	vmul.f32 v27, v10;
	[tilespmem:s15+$0xF4A0] =	vst v43  }
0xb2: {  	v25 =	vld [tilespmem:s13+$0xF4E0];
	v14 =	vmul.f32 v38, v21;
	[tilespmem:s15+$0xF4B0] =	vst v45  }
0xb3: {  	v48 =	vmul.f32 v40, v21;
	v50 =	vmul.f32 v42, v21;
	v21 =	vld [tilespmem:s13+$0xF4C0];
	[tilespmem:s11+$0xF480] =	vst v34  }
0xb4: {  	v33 =	vld [tilespmem:s11+$0xF4C0];
	[tilespmem:s15+$0xF4C0] =	vst v14  }
0xb5: {  	v29 =	vld [tilespmem:s11+$0xF490];
	v52 =	vmul.f32 v44, v12;
	[tilespmem:s15+$0xF4D0] =	vst v48  }
0xb6: {  	v30 =	vld [tilespmem:s11+$0xF4A0];
	v54 =	vmul.f32 v46, v12;
	[tilespmem:s15+$0xF4E0] =	vst v50  }
0xb7: {  	v32 =	vld [tilespmem:s11+$0xF4B0];
	v12 =	vmul.f32 v55, v12;
	[tilespmem:s14+$0xF480] =	vst v52  }
0xb8: {  	[tilespmem:s14+$0xF490] =	vst v54;
	v13 =	vmul.f32 v21, v11;
	v11 =	vmul.f32 v25, v11  }
0xb9: {  	v35 =	vld [tilespmem:s11+$0xF4D0];
	v40 =	vmul.f32 v33, v10;
	[tilespmem:s14+$0xF4E0] =	vst v12  }
0xba: {  	v36 =	vld [tilespmem:s11+$0xF4E0];
	[tilespmem:s13+$0xF4E0] =	vst v11;
	v11 =	vmul.f32 v29, v10  }
0xbb: {  	v38 =	vld [tilespmem:s30+$0xF480];
	[tilespmem:s11+$0xF4C0] =	vst v40;
	v37 =	vmul.f32 v30, v10  }
0xbc: {  	v39 =	vld [tilespmem:s30+$0xF490];
	[tilespmem:s11+$0xF490] =	vst v11;
	v11 =	vmul.f32 v32, v10  }
0xbd: {  	v41 =	vld [tilespmem:s30+$0xF4A0];
	[tilespmem:s11+$0xF4A0] =	vst v37  }
0xbe: {  	v42 =	vld [tilespmem:s30+$0xF4B0];
	[tilespmem:s11+$0xF4B0] =	vst v11;
	v11 =	vmul.f32 v35, v10  }
0xbf: {  	v43 =	vld [tilespmem:s30+$0xF4C0];
	[tilespmem:s13+$0xF4C0] =	vst v13;
	v10 =	vmul.f32 v36, v10  }
0xc0: {  	v44 =	vld [tilespmem:s30+$0xF4D0];
	[tilespmem:s11+$0xF4D0] =	vst v11;
	v11 =	vmul.f32 v38, v9  }
0xc1: {  	v45 =	vld [tilespmem:s30+$0xF4E0];
	[tilespmem:s11+$0xF4E0] =	vst v10;
	v10 =	vmul.f32 v39, v9  }
0xc2: {  	v46 =	vld [tilespmem:s10+$0xF480];
	[tilespmem:s30+$0xF480] =	vst v11;
	v11 =	vmul.f32 v41, v9  }
0xc3: {  	v47 =	vld [tilespmem:s10+$0xF490];
	[tilespmem:s30+$0xF490] =	vst v10;
	v10 =	vmul.f32 v42, v9  }
0xc4: {  	v48 =	vld [tilespmem:s10+$0xF4A0];
	[tilespmem:s30+$0xF4A0] =	vst v11;
	v11 =	vmul.f32 v43, v9  }
0xc5: {  	v49 =	vld [tilespmem:s10+$0xF4B0];
	[tilespmem:s30+$0xF4B0] =	vst v10;
	v10 =	vmul.f32 v44, v9  }
0xc6: {  	v9 =	vmul.f32 v45, v9;
	[tilespmem:s30+$0xF4C0] =	vst v11;
	v11 =	vld [tilespmem:s10+$0xF4C0]  }
0xc7: {  	v50 =	vld [tilespmem:s10+$0xF4D0];
	[tilespmem:s30+$0xF4D0] =	vst v10;
	v10 =	vmul.f32 v46, v8  }
0xc8: {  	v51 =	vld [tilespmem:s10+$0xF4E0];
	[tilespmem:s30+$0xF4E0] =	vst v9;
	v9 =	vmul.f32 v47, v8  }
0xc9: {  	v52 =	vld [tilespmem:s8+$0xF480];
	[tilespmem:s10+$0xF480] =	vst v10;
	v10 =	vmul.f32 v48, v8  }
0xca: {  	v53 =	vld [tilespmem:s8+$0xF490];
	[tilespmem:s10+$0xF490] =	vst v9;
	v9 =	vmul.f32 v49, v8  }
0xcb: {  	[tilespmem:s10+$0xF4A0] =	vst v10;
	v10 =	vmul.f32 v11, v8;
	v11 =	vld [tilespmem:s8+$0xF4A0]  }
0xcc: {  	v54 =	vld [tilespmem:s8+$0xF4B0];
	[tilespmem:s10+$0xF4B0] =	vst v9;
	v9 =	vmul.f32 v50, v8  }
0xcd: {  	v8 =	vmul.f32 v51, v8;
	[tilespmem:s10+$0xF4C0] =	vst v10;
	v10 =	vld [tilespmem:s8+$0xF4C0]  }
0xce: {  	v55 =	vld [tilespmem:s8+$0xF4D0];
	[tilespmem:s10+$0xF4D0] =	vst v9;
	v9 =	vmul.f32 v52, v7  }
0xcf: {  	v56 =	vld [tilespmem:s8+$0xF4E0];
	[tilespmem:s10+$0xF4E0] =	vst v8;
	v8 =	vmul.f32 v53, v7  }
0xd0: {  	[tilespmem:s8+$0xF480] =	vst v9;
	v9 =	vmul.f32 v11, v7;
	v11 =	vld [tilespmem:s7+$0xF480]  }
0xd1: {  	v57 =	vld [tilespmem:s7+$0xF490];
	[tilespmem:s8+$0xF490] =	vst v8;
	v8 =	vmul.f32 v54, v7  }
0xd2: {  	[tilespmem:s8+$0xF4A0] =	vst v9;
	v9 =	vmul.f32 v10, v7;
	v10 =	vld [tilespmem:s7+$0xF4A0]  }
0xd3: {  	v58 =	vld [tilespmem:s7+$0xF4B0];
	[tilespmem:s8+$0xF4B0] =	vst v8;
	v8 =	vmul.f32 v55, v7  }
0xd4: {  	v7 =	vmul.f32 v56, v7;
	[tilespmem:s8+$0xF4C0] =	vst v9;
	v9 =	vld [tilespmem:s7+$0xF4C0]  }
0xd5: {  	[tilespmem:s8+$0xF4D0] =	vst v8;
	v8 =	vmul.f32 v11, v6;
	v11 =	vld [tilespmem:s7+$0xF4D0]  }
0xd6: {  	v59 =	vld [tilespmem:s7+$0xF4E0];
	[tilespmem:s8+$0xF4E0] =	vst v7;
	v7 =	vmul.f32 v57, v6  }
0xd7: {  	[tilespmem:s7+$0xF480] =	vst v8;
	v8 =	vmul.f32 v10, v6;
	v10 =	vld [tilespmem:s6+$0xF480]  }
0xd8: {  	v60 =	vld [tilespmem:s6+$0xF490];
	[tilespmem:s7+$0xF490] =	vst v7;
	v7 =	vmul.f32 v58, v6  }
0xd9: {  	[tilespmem:s7+$0xF4A0] =	vst v8;
	v8 =	vmul.f32 v9, v6;
	v9 =	vld [tilespmem:s6+$0xF4A0]  }
0xda: {  	[tilespmem:s7+$0xF4B0] =	vst v7;
	v7 =	vmul.f32 v11, v6;
	v11 =	vld [tilespmem:s6+$0xF4B0]  }
0xdb: {  	v6 =	vmul.f32 v59, v6;
	[tilespmem:s7+$0xF4C0] =	vst v8;
	v8 =	vld [tilespmem:s6+$0xF4C0]  }
0xdc: {  	[tilespmem:s7+$0xF4D0] =	vst v7;
	v7 =	vmul.f32 v10, v5;
	v10 =	vld [tilespmem:s6+$0xF4D0]  }
0xdd: {  	v61 =	vld [tilespmem:s6+$0xF4E0];
	[tilespmem:s7+$0xF4E0] =	vst v6;
	v6 =	vmul.f32 v60, v5  }
0xde: {  	[tilespmem:s6+$0xF480] =	vst v7;
	v7 =	vmul.f32 v9, v5;
	v9 =	vld [tilespmem:s0+$0xF480]  }
0xdf: {  	[tilespmem:s6+$0xF490] =	vst v6;
	v6 =	vmul.f32 v11, v5;
	v11 =	vld [tilespmem:s0+$0xF490]  }
0xe0: {  	[tilespmem:s6+$0xF4A0] =	vst v7;
	v7 =	vmul.f32 v8, v5;
	v8 =	vld [tilespmem:s0+$0xF4A0]  }
0xe1: {  	[tilespmem:s6+$0xF4B0] =	vst v6;
	v6 =	vmul.f32 v10, v5;
	v10 =	vld [tilespmem:s0+$0xF4B0]  }
0xe2: {  	v5 =	vmul.f32 v61, v5;
	[tilespmem:s6+$0xF4C0] =	vst v7;
	v7 =	vld [tilespmem:s0+$0xF4C0]  }
0xe3: {  	[tilespmem:s6+$0xF4D0] =	vst v6;
	v6 =	vmul.f32 v9, v4;
	v9 =	vld [tilespmem:s0+$0xF4D0]  }
0xe4: {  	[tilespmem:s6+$0xF4E0] =	vst v5;
	v5 =	vmul.f32 v11, v4;
	v11 =	vld [tilespmem:s0+$0xF4E0]  }
0xe5: {  	[tilespmem:s0+$0xF480] =	vst v6;
	v6 =	vmul.f32 v8, v4;
	v8 =	vld [tilespmem:s29+$0xF480]  }
0xe6: {  	[tilespmem:s0+$0xF490] =	vst v5;
	v5 =	vmul.f32 v10, v4;
	v10 =	vld [tilespmem:s29+$0xF490]  }
0xe7: {  	v62 =	vld [tilespmem:s29+$0xF4A0];
	[tilespmem:s0+$0xF4A0] =	vst v6;
	v6 =	vmul.f32 v7, v4  }
0xe8: {  	[tilespmem:s0+$0xF4B0] =	vst v5;
	v5 =	vmul.f32 v9, v4;
	v9 =	vld [tilespmem:s29+$0xF4B0]  }
0xe9: {  	s30 =	sadd.s32 $0x10, s2;
	[tilespmem:s0+$0xF4C0] =	vst v6;
	v4 =	vmul.f32 v11, v4;
	v11 =	vld [tilespmem:s29+$0xF4C0]  }
0xea: {  	v63 =	vld [tilespmem:s29+$0xF4D0];
	p0 =	slt.u32 s30, s31;
	[tilespmem:s0+$0xF4D0] =	vst v5;
	v5 =	vmul.f32 v8, v3  }
.Ltmp8:
0xeb: {  	v8 =	vld [tilespmem:s29+$0xF4E0];
	[tilespmem:s0+$0xF4E0] =	vst v4;
	v4 =	vmul.f32 v10, v3;
	(pc) =	sbr.rel @!p0 .LBB2_8-.Ltmp8, $4  }
0xec: {  	v7 =	vld [tilespmem:s28+$0xF480];
	v10 =	vmul.f32 v62, v3;
	[tilespmem:s29+$0xF480] =	vst v5  }
0xed: {  	v6 =	vld [tilespmem:s28+$0xF490];
	[tilespmem:s29+$0xF490] =	vst v4;
	v9 =	vmul.f32 v9, v3  }
0xee: {  	v5 =	vld [tilespmem:s28+$0xF4A0];
	[tilespmem:s29+$0xF4A0] =	vst v10;
	v10 =	vmul.f32 v11, v3  }
0xef: {  	v4 =	vld [tilespmem:s28+$0xF4B0];
	[tilespmem:s29+$0xF4B0] =	vst v9;
	v9 =	vmul.f32 v63, v3  }
.LBB2_7:
0xf0: {  	v11 =	vld [tilespmem:s28+$0xF4C0]  }
0xf1: {  	[tilespmem:s29+$0xF4C0] =	vst v10;
	v10 =	vld [tilespmem:s28+$0xF4D0]  }
0xf2: {  	s0 =	sadd.s32 s26, s30;
	v3 =	vmul.f32 v8, v3;
	[tilespmem:s29+$0xF4D0] =	vst v9;
	v9 =	vld [tilespmem:s28+$0xF4E0]  }
0xf3: {  	s11 =	smov.u32 s30;
	v7 =	vmul.f32 v7, v2;
	v13 =	vld [tilespmem:s25+$0xF490];
	v8 =	vmov s0  }
0xf4: {  	v6 =	vmul.f32 v6, v2;
	v16 =	vld [tilespmem:s25+$0xF4D0];
	s6 =	sor.u32 $0x8, s11;
	v8 =	vshrl.u32 v8, $0x3;
	[tilespmem:s29+$0xF4E0] =	vst v3  }
0xf5: {  	v5 =	vmul.f32 v5, v2;
	v14 =	vld [tilespmem:s25+$0xF4A0];
	s7 =	sor.u32 $0xF, s11;
	s16 =	sor.u32 $0xC, s11;
	s10 =	sadd.s32 s26, s6;
	[tilespmem:s28+$0xF480] =	vst v7;
	v3 =	vshll.u32 v8, v0  }
0xf6: {  	s2 =	rddreg [dreg:$0x4];
	v4 =	vmul.f32 v4, v2;
	v15 =	vld [tilespmem:s25+$0xF4C0];
	s13 =	sadd.s32 s26, s7;
	[tilespmem:s28+$0xF490] =	vst v6;
	s0 =	sshll.u32 s16, $0x7;
	v7 =	vmov s10;
	v3 =	vbroadcast v3, $0x0  }
0xf7: {  	s30 =	sadd.s32 $0x10, s30;
	[tilespmem:s28+$0xF4A0] =	vst v5;
	v8 =	vld [tilespmem:s25+$0xF480];
	s10 =	sor.u32 $0xE, s11;
	s0 =	sand.u32 $0x3FFFFF80, s0;
	v6 =	vshrl.u32 v7, $0x3;
	v7 =	vmov s13;
	v5 =	vmul.f32 v11, v2  }
0xf8: {  	p0 =	slt.u32 s30, s2;
	[tilespmem:s28+$0xF4B0] =	vst v4;
	s14 =	sadd.s32 s26, s10;
	v46 =	vld [tilespmem:s0+$0xF4F0];
	v6 =	vshll.u32 v6, v0;
	v7 =	vshrl.u32 v7, $0x3;
	v4 =	vmul.f32 v10, v2  }
0xf9: {  	s2 =	sor.u32 $0xD, s11;
	s19 =	sadd.s32 s26, s16;
	s10 =	sshll.u32 s10, $0x7;
	v11 =	vld [tilespmem:s25+$0xF4B0];
	v10 =	vmov s14;
	v2 =	vmul.f32 v9, v2;
	v16 =	vmul.f32 v16, v1;
	[tilespmem:s28+$0xF4C0] =	vst v5  }
0xfa: {  	s13 =	sadd.s32 s26, s2;
	s2 =	sshll.u32 s2, $0x7;
	v9 =	vld [tilespmem:s25+$0xF4E0];
	s31 =	sand.u32 $0x3FFFFF80, s10;
	v6 =	vbroadcast v6, $0x0;
	v7 =	vshll.u32 v7, v0;
	v5 =	vshrl.u32 v10, $0x3;
	[tilespmem:s28+$0xF4D0] =	vst v4  }
0xfb: {  	s15 =	sshll.u32 s11, $0x7;
	s2 =	sand.u32 $0x3FFFFF80, s2;
	v44 =	vld [tilespmem:s31+$0xF4F0];
	v7 =	vadd.s32 $0x7, v7;
	v4 =	vmov s13;
	[tilespmem:s28+$0xF4E0] =	vst v2;
	v2 =	vmov s19;
	s13 =	sor.u32 $0x6, s11  }
0xfc: {  	s8 =	sand.u32 $0x3FFFFF80, s15;
	v20 =	vld [tilespmem:s2+$0xF4F0];
	v5 =	vshll.u32 v5, v0;
	v7 =	vbroadcast v7, $0x0;
	v8 =	vmul.f32 v8, v1;
	s16 =	sadd.s32 s26, s13  }
0xfd: {  	s21 =	sor.u32 $0xA, s11;
	s6 =	sshll.u32 s6, $0x7;
	s14 =	sshll.u32 s7, $0x7;
	v10 =	vld [tilespmem:s8+$0xF4F0];
	v4 =	vshrl.u32 v4, $0x3;
	v5 =	vadd.s32 $0x6, v5;
	v21 =	vmov s16  }
0xfe: {  	s29 =	sand.u32 $0x3FFFFF80, s14;
	s28 =	sand.u32 $0x3FFFFF80, s6;
	s6 =	sor.u32 $0xB, s11;
	v17 =	vld.idx.msk [tilespmem:v3+s9+$0x0], $0xffff;
	v3 =	vshll.u32 v4, v0;
	v4 =	vbroadcast v5, $0x0;
	[tilespmem:s25+$0xF480] =	vst v8;
	v8 =	vmul.f32 v13, v1  }
0xff: {  	s7 =	sshll.u32 s21, $0x7;
	v42 =	vld [tilespmem:s29+$0xF4F0];
	s20 =	sadd.s32 s26, s6;
	s16 =	sor.u32 $0x4, s11;
	v5 =	vshrl.u32 v2, $0x3;
	v9 =	vmul.f32 v9, v1;
	v3 =	vadd.s32 $0x5, v3  }
0x100: {  	s17 =	sadd.s32 s26, s21;
	s7 =	sand.u32 $0x3FFFFF80, s7;
	s21 =	sadd.s32 s26, s16;
	v5 =	vshll.u32 v5, v0;
	v2 =	vld.idx.msk [tilespmem:v6+s9+$0x0], $0xffff;
	v6 =	vmov s20;
	v18 =	vbroadcast v3, $0x0;
	[tilespmem:s25+$0xF490] =	vst v8  }
0x101: {  	s18 =	sor.u32 $0x9, s11;
	v49 =	vld [tilespmem:s7+$0xF4F0];
	s6 =	sshll.u32 s6, $0x7;
	v5 =	vadd.s32 $0x4, v5;
	v8 =	vmov s17;
	[tilespmem:s25+$0xF4E0] =	vst v9;
	v9 =	vmov s21  }
0x102: {  	s19 =	sadd.s32 s26, s18;
	v12 =	vld [tilespmem:s28+$0xF4F0];
	s6 =	sand.u32 $0x3FFFFF80, s6;
	s20 =	sor.u32 $0x7, s11;
	v3 =	vshrl.u32 v6, $0x3;
	v6 =	vmul.f32 v14, v1;
	v19 =	vbroadcast v5, $0x0  }
0x103: {  	v47 =	vld [tilespmem:s6+$0xF4F0];
	v5 =	vshrl.u32 v8, $0x3;
	v8 =	vmov s19;
	s10 =	sshll.u32 s20, $0x7;
	v43 =	vshll.u32 v3, v0  }
0x104: {  	s15 =	sadd.s32 s26, s20;
	v9 =	vshrl.u32 v9, $0x3;
	v3 =	vld.idx.msk [tilespmem:v7+s9+$0x0], $0xffff;
	v5 =	vshll.u32 v5, v0;
	s10 =	sand.u32 $0x3FFFFF80, s10;
	[tilespmem:s25+$0xF4A0] =	vst v6;
	v6 =	vmul.f32 v11, v1  }
0x105: {  	s14 =	sshll.u32 s18, $0x7;
	v8 =	vshrl.u32 v8, $0x3;
	v24 =	vshll.u32 v9, v0;
	v11 =	vmov s15;
	s15 =	sor.u32 $0x5, s11;
	v55 =	vld [tilespmem:s10+$0xF4F0]  }
0x106: {  	s18 =	sor.u32 $0x3, s11;
	s19 =	sor.u32 $0x2, s11;
	v7 =	vadd.s32 $0x3, v43;
	v5 =	vadd.s32 $0x2, v5;
	v4 =	vld.idx.msk [tilespmem:v4+s9+$0x0], $0xffff;
	s17 =	sadd.s32 s26, s15;
	[tilespmem:s25+$0xF4B0] =	vst v6;
	v6 =	vmul.f32 v15, v1  }
0x107: {  	s13 =	sshll.u32 s13, $0x7;
	s20 =	sadd.s32 s26, s19;
	v8 =	vshll.u32 v8, v0;
	v45 =	vbroadcast v5, $0x0;
	v48 =	vmov s17;
	s17 =	sadd.s32 s26, s18;
	v5 =	vld.idx.msk [tilespmem:v18+s9+$0x0], $0xffff  }
0x108: {  	v54 =	vadd.s32 $0x4, v24;
	v25 =	vmov s20;
	s15 =	sshll.u32 s15, $0x7;
	v23 =	vmov s17;
	s17 =	sor.u32 $0x1, s11;
	s11 =	sand.u32 $0x3FFFFF80, s13;
	[tilespmem:s25+$0xF4C0] =	vst v6;
	v6 =	vld.idx.msk [tilespmem:v19+s9+$0x0], $0xffff  }
0x109: {  	s20 =	sshll.u32 s18, $0x7;
	v7 =	vbroadcast v7, $0x0;
	v11 =	vshrl.u32 v11, $0x3;
	v25 =	vshrl.u32 v25, $0x3;
	s13 =	sand.u32 $0x3FFFFF80, s15;
	v27 =	vld [tilespmem:s11+$0xF4F0]  }
0x10a: {  	v8 =	vadd.s32 $0x1, v8;
	v11 =	vshll.u32 v11, v0;
	v25 =	vshll.u32 v25, v0;
	s15 =	sand.u32 $0x3FFFFF80, s20;
	v57 =	vld [tilespmem:s13+$0xF4F0]  }
0x10b: {  	v22 =	vbroadcast v8, $0x0;
	v8 =	vshrl.u32 v21, $0x3;
	v25 =	vadd.s32 $0x2, v25;
	v61 =	vld [tilespmem:s15+$0xF4F0]  }
0x10c: {  	[tilespmem:s25+$0xF4D0] =	vst v16;
	s16 =	sshll.u32 s16, $0x7;
	v1 =	vmovc v17;
	v11 =	vadd.s32 $0x7, v11;
	v8 =	vshll.u32 v8, v0;
	s25 =	smov.u32 s8;
	s8 =	sand.u32 $0x3FFFFF80, s14;
	v58 =	vbroadcast v25, $0x0;
	v25 =	vld [tilespmem:s15+$0xF4C0]  }
0x10d: {  	v16 =	vshrl.u32 v48, $0x3;
	v53 =	vmul.f32 v10, v1;
	v11 =	vbroadcast v11, $0x0;
	s21 =	sadd.s32 s26, s17;
	s14 =	sand.u32 $0x3FFFFF80, s16;
	s17 =	sshll.u32 s17, $0x7;
	v52 =	vld [tilespmem:s8+$0xF4F0]  }
0x10e: {  	v8 =	vadd.s32 $0x6, v8;
	v10 =	vshrl.u32 v23, $0x3;
	v23 =	vbroadcast v54, $0x0;
	v60 =	vld [tilespmem:s14+$0xF4F0];
	s17 =	sand.u32 $0x3FFFFF80, s17  }
0x10f: {  	v16 =	vshll.u32 v16, v0;
	v50 =	vbroadcast v8, $0x0;
	v30 =	vld [tilespmem:s17+$0xF4F0]  }
0x110: {  	v29 =	vmul.f32 v12, v2;
	v51 =	vadd.s32 $0x5, v16;
	v7 =	vld.idx.msk [tilespmem:v7+s9+$0x0], $0xffff  }
0x111: {  	v15 =	vbroadcast v51, $0x0;
	v8 =	vld.idx.msk [tilespmem:v45+s9+$0x0], $0xffff  }
0x112: {  	v59 =	vmul.f32 v42, v3;
	[tilespmem:s28+$0xF4F0] =	vst v29;
	v9 =	vld.idx.msk [tilespmem:v22+s9+$0x0], $0xffff  }
0x113: {  	v26 =	vshll.u32 v10, v0;
	[tilespmem:s25+$0xF4F0] =	vst v53;
	v14 =	vmul.f32 v44, v4;
	v10 =	vld.idx.msk [tilespmem:v11+s9+$0x0], $0xffff  }
0x114: {  	[tilespmem:s29+$0xF4F0] =	vst v59;
	v18 =	vmul.f32 v46, v6;
	v11 =	vmov s21;
	v13 =	vld.idx.msk [tilespmem:v23+s9+$0x0], $0xffff  }
0x115: {  	v20 =	vmul.f32 v20, v5;
	[tilespmem:s31+$0xF4F0] =	vst v14;
	v28 =	vshrl.u32 v11, $0x3;
	v11 =	vld.idx.msk [tilespmem:v50+s9+$0x0], $0xffff  }
0x116: {  	s21 =	sshll.u32 s19, $0x7;
	[tilespmem:s0+$0xF4F0] =	vst v18;
	v18 =	vld.idx.msk [tilespmem:v58+s9+$0x0], $0xffff;
	v19 =	vmul.f32 v47, v7  }
0x117: {  	[tilespmem:s2+$0xF4F0] =	vst v20;
	s16 =	sand.u32 $0x3FFFFF80, s21;
	v12 =	vld.idx.msk [tilespmem:v15+s9+$0x0], $0xffff;
	v17 =	vmul.f32 v49, v8  }
0x118: {  	v26 =	vadd.s32 $0x3, v26;
	v62 =	vld [tilespmem:s16+$0xF4F0];
	v16 =	vmul.f32 v52, v9;
	[tilespmem:s6+$0xF4F0] =	vst v19  }
0x119: {  	v26 =	vbroadcast v26, $0x0;
	v44 =	vld [tilespmem:s16+$0xF480];
	[tilespmem:s7+$0xF4F0] =	vst v17;
	v29 =	vmul.f32 v55, v10  }
0x11a: {  	v46 =	vld [tilespmem:s16+$0xF490];
	[tilespmem:s8+$0xF4F0] =	vst v16;
	v35 =	vmul.f32 v60, v13  }
0x11b: {  	v48 =	vld [tilespmem:s16+$0xF4A0];
	v31 =	vmul.f32 v27, v11;
	[tilespmem:s10+$0xF4F0] =	vst v29  }
0x11c: {  	v49 =	vld [tilespmem:s16+$0xF4B0];
	v33 =	vmul.f32 v57, v12;
	[tilespmem:s14+$0xF4F0] =	vst v35  }
0x11d: {  	v51 =	vld [tilespmem:s16+$0xF4C0];
	v20 =	vmul.f32 v62, v18;
	[tilespmem:s11+$0xF4F0] =	vst v31  }
0x11e: {  	v53 =	vld [tilespmem:s16+$0xF4D0];
	v52 =	vmul.f32 v44, v18;
	[tilespmem:s13+$0xF4F0] =	vst v33  }
0x11f: {  	v56 =	vshll.u32 v28, v0;
	v14 =	vld.idx.msk [tilespmem:v26+s9+$0x0], $0xffff;
	v54 =	vmul.f32 v46, v18;
	[tilespmem:s16+$0xF4F0] =	vst v20  }
0x120: {  	v59 =	vld [tilespmem:s15+$0xF490];
	v21 =	vadd.s32 $0x1, v56;
	v56 =	vmul.f32 v48, v18;
	[tilespmem:s16+$0xF480] =	vst v52  }
0x121: {  	v55 =	vld [tilespmem:s16+$0xF4E0];
	v58 =	vmul.f32 v49, v18;
	[tilespmem:s16+$0xF490] =	vst v54  }
0x122: {  	v21 =	vbroadcast v21, $0x0;
	v57 =	vld [tilespmem:s15+$0xF480];
	v60 =	vmul.f32 v51, v18;
	[tilespmem:s16+$0xF4A0] =	vst v56  }
0x123: {  	v62 =	vmul.f32 v53, v18;
	v44 =	vld [tilespmem:s13+$0xF480];
	[tilespmem:s16+$0xF4B0] =	vst v58  }
0x124: {  	v46 =	vld [tilespmem:s13+$0xF490];
	v15 =	vmul.f32 v61, v14;
	[tilespmem:s16+$0xF4C0] =	vst v60  }
0x125: {  	v49 =	vld [tilespmem:s13+$0xF4B0];
	v28 =	vmul.f32 v59, v14;
	[tilespmem:s16+$0xF4D0] =	vst v62  }
0x126: {  	v56 =	vld [tilespmem:s11+$0xF480];
	[tilespmem:s15+$0xF4F0] =	vst v15;
	v24 =	vmul.f32 v55, v18  }
0x127: {  	v58 =	vld [tilespmem:s11+$0xF490];
	[tilespmem:s15+$0xF490] =	vst v28;
	v26 =	vmul.f32 v57, v14  }
0x128: {  	v63 =	vld.idx.msk [tilespmem:v21+s9+$0x0], $0xffff;
	[tilespmem:s16+$0xF4E0] =	vst v24;
	v51 =	vmul.f32 v44, v12  }
0x129: {  	v32 =	vld [tilespmem:s17+$0xF480];
	v53 =	vmul.f32 v46, v12;
	[tilespmem:s15+$0xF480] =	vst v26  }
0x12a: {  	v34 =	vld [tilespmem:s17+$0xF490];
	v57 =	vmul.f32 v49, v12;
	[tilespmem:s13+$0xF480] =	vst v51  }
0x12b: {  	v36 =	vld [tilespmem:s17+$0xF4A0];
	[tilespmem:s13+$0xF490] =	vst v53;
	v21 =	vmul.f32 v56, v11  }
0x12c: {  	v37 =	vld [tilespmem:s17+$0xF4B0];
	[tilespmem:s13+$0xF4B0] =	vst v57;
	v23 =	vmul.f32 v58, v11  }
0x12d: {  	v38 =	vld [tilespmem:s17+$0xF4C0];
	v17 =	vmul.f32 v30, v63;
	[tilespmem:s11+$0xF480] =	vst v21  }
0x12e: {  	v40 =	vld [tilespmem:s17+$0xF4D0];
	v39 =	vmul.f32 v32, v63;
	[tilespmem:s11+$0xF490] =	vst v23  }
0x12f: {  	v42 =	vld [tilespmem:s17+$0xF4E0];
	v41 =	vmul.f32 v34, v63;
	[tilespmem:s17+$0xF4F0] =	vst v17  }
0x130: {  	v61 =	vld [tilespmem:s15+$0xF4A0];
	v43 =	vmul.f32 v36, v63;
	[tilespmem:s17+$0xF480] =	vst v39  }
0x131: {  	v22 =	vld [tilespmem:s11+$0xF4D0];
	v45 =	vmul.f32 v37, v63;
	[tilespmem:s17+$0xF490] =	vst v41  }
0x132: {  	v27 =	vld [tilespmem:s15+$0xF4D0];
	v47 =	vmul.f32 v38, v63;
	[tilespmem:s17+$0xF4A0] =	vst v43  }
0x133: {  	v52 =	vld [tilespmem:s13+$0xF4D0];
	v16 =	vmul.f32 v40, v63;
	[tilespmem:s17+$0xF4B0] =	vst v45  }
0x134: {  	v60 =	vld [tilespmem:s11+$0xF4A0];
	v50 =	vmul.f32 v42, v63;
	[tilespmem:s17+$0xF4C0] =	vst v47  }
0x135: {  	v62 =	vld [tilespmem:s11+$0xF4B0];
	v30 =	vmul.f32 v61, v14;
	[tilespmem:s17+$0xF4D0] =	vst v16  }
0x136: {  	v31 =	vld [tilespmem:s14+$0xF480];
	v34 =	vmul.f32 v25, v14;
	[tilespmem:s17+$0xF4E0] =	vst v50  }
0x137: {  	v33 =	vld [tilespmem:s14+$0xF490];
	v36 =	vmul.f32 v27, v14;
	[tilespmem:s15+$0xF4A0] =	vst v30  }
0x138: {  	v35 =	vld [tilespmem:s14+$0xF4A0];
	v61 =	vmul.f32 v52, v12;
	[tilespmem:s15+$0xF4C0] =	vst v34  }
0x139: {  	v29 =	vld [tilespmem:s15+$0xF4E0];
	v25 =	vmul.f32 v60, v11;
	[tilespmem:s15+$0xF4D0] =	vst v36  }
0x13a: {  	v26 =	vld [tilespmem:s10+$0xF480];
	v27 =	vmul.f32 v62, v11;
	[tilespmem:s13+$0xF4D0] =	vst v61  }
0x13b: {  	v63 =	vld [tilespmem:s15+$0xF4B0];
	v39 =	vmul.f32 v31, v13;
	[tilespmem:s11+$0xF4A0] =	vst v25  }
0x13c: {  	v54 =	vld [tilespmem:s13+$0xF4E0];
	v41 =	vmul.f32 v33, v13;
	[tilespmem:s11+$0xF4B0] =	vst v27  }
0x13d: {  	v37 =	vld [tilespmem:s14+$0xF4B0];
	v43 =	vmul.f32 v35, v13;
	[tilespmem:s14+$0xF480] =	vst v39  }
0x13e: {  	v38 =	vld [tilespmem:s14+$0xF4C0];
	v31 =	vmul.f32 v22, v11;
	[tilespmem:s14+$0xF490] =	vst v41  }
0x13f: {  	v40 =	vld [tilespmem:s14+$0xF4D0];
	[tilespmem:s14+$0xF4A0] =	vst v43;
	v34 =	vmul.f32 v26, v10  }
0x140: {  	v42 =	vld [tilespmem:s14+$0xF4E0];
	[tilespmem:s11+$0xF4D0] =	vst v31;
	v32 =	vmul.f32 v63, v14  }
0x141: {  	v47 =	vld [tilespmem:s13+$0xF4A0];
	v14 =	vmul.f32 v29, v14;
	[tilespmem:s10+$0xF480] =	vst v34  }
0x142: {  	v50 =	vld [tilespmem:s13+$0xF4C0];
	v45 =	vmul.f32 v37, v13;
	[tilespmem:s15+$0xF4B0] =	vst v32  }
0x143: {  	v24 =	vld [tilespmem:s11+$0xF4E0];
	v15 =	vmul.f32 v38, v13;
	[tilespmem:s15+$0xF4E0] =	vst v14  }
0x144: {  	v48 =	vmul.f32 v40, v13;
	v63 =	vld [tilespmem:s11+$0xF4C0];
	[tilespmem:s14+$0xF4B0] =	vst v45  }
0x145: {  	v30 =	vld [tilespmem:s10+$0xF4A0];
	v13 =	vmul.f32 v42, v13;
	[tilespmem:s14+$0xF4C0] =	vst v15  }
0x146: {  	v28 =	vld [tilespmem:s10+$0xF490];
	[tilespmem:s14+$0xF4D0] =	vst v48;
	v55 =	vmul.f32 v47, v12  }
0x147: {  	v33 =	vld [tilespmem:s10+$0xF4C0];
	[tilespmem:s14+$0xF4E0] =	vst v13;
	v59 =	vmul.f32 v50, v12  }
0x148: {  	v12 =	vmul.f32 v54, v12;
	v32 =	vld [tilespmem:s10+$0xF4B0];
	[tilespmem:s13+$0xF4A0] =	vst v55  }
0x149: {  	[tilespmem:s13+$0xF4C0] =	vst v59;
	v29 =	vmul.f32 v63, v11;
	v11 =	vmul.f32 v24, v11  }
0x14a: {  	v35 =	vld [tilespmem:s10+$0xF4D0];
	v37 =	vmul.f32 v30, v10;
	[tilespmem:s13+$0xF4E0] =	vst v12  }
0x14b: {  	v36 =	vld [tilespmem:s10+$0xF4E0];
	[tilespmem:s11+$0xF4E0] =	vst v11;
	v11 =	vmul.f32 v28, v10  }
0x14c: {  	v38 =	vld [tilespmem:s8+$0xF480];
	v40 =	vmul.f32 v33, v10;
	[tilespmem:s10+$0xF4A0] =	vst v37  }
0x14d: {  	v39 =	vld [tilespmem:s8+$0xF490];
	[tilespmem:s10+$0xF490] =	vst v11;
	v11 =	vmul.f32 v32, v10  }
0x14e: {  	v41 =	vld [tilespmem:s8+$0xF4A0];
	[tilespmem:s10+$0xF4C0] =	vst v40  }
0x14f: {  	v42 =	vld [tilespmem:s8+$0xF4B0];
	[tilespmem:s10+$0xF4B0] =	vst v11;
	v11 =	vmul.f32 v35, v10  }
0x150: {  	v43 =	vld [tilespmem:s8+$0xF4C0];
	[tilespmem:s11+$0xF4C0] =	vst v29;
	v10 =	vmul.f32 v36, v10  }
0x151: {  	v44 =	vld [tilespmem:s8+$0xF4D0];
	[tilespmem:s10+$0xF4D0] =	vst v11;
	v11 =	vmul.f32 v38, v9  }
0x152: {  	v45 =	vld [tilespmem:s8+$0xF4E0];
	[tilespmem:s10+$0xF4E0] =	vst v10;
	v10 =	vmul.f32 v39, v9  }
0x153: {  	v46 =	vld [tilespmem:s7+$0xF480];
	[tilespmem:s8+$0xF480] =	vst v11;
	v11 =	vmul.f32 v41, v9  }
0x154: {  	v47 =	vld [tilespmem:s7+$0xF490];
	[tilespmem:s8+$0xF490] =	vst v10;
	v10 =	vmul.f32 v42, v9  }
0x155: {  	v48 =	vld [tilespmem:s7+$0xF4A0];
	[tilespmem:s8+$0xF4A0] =	vst v11;
	v11 =	vmul.f32 v43, v9  }
0x156: {  	v49 =	vld [tilespmem:s7+$0xF4B0];
	[tilespmem:s8+$0xF4B0] =	vst v10;
	v10 =	vmul.f32 v44, v9  }
0x157: {  	v9 =	vmul.f32 v45, v9;
	[tilespmem:s8+$0xF4C0] =	vst v11;
	v11 =	vld [tilespmem:s7+$0xF4C0]  }
0x158: {  	v50 =	vld [tilespmem:s7+$0xF4D0];
	[tilespmem:s8+$0xF4D0] =	vst v10;
	v10 =	vmul.f32 v46, v8  }
0x159: {  	v51 =	vld [tilespmem:s7+$0xF4E0];
	[tilespmem:s8+$0xF4E0] =	vst v9;
	v9 =	vmul.f32 v47, v8  }
0x15a: {  	v52 =	vld [tilespmem:s6+$0xF480];
	[tilespmem:s7+$0xF480] =	vst v10;
	v10 =	vmul.f32 v48, v8  }
0x15b: {  	v53 =	vld [tilespmem:s6+$0xF490];
	[tilespmem:s7+$0xF490] =	vst v9;
	v9 =	vmul.f32 v49, v8  }
0x15c: {  	[tilespmem:s7+$0xF4A0] =	vst v10;
	v10 =	vmul.f32 v11, v8;
	v11 =	vld [tilespmem:s6+$0xF4A0]  }
0x15d: {  	v54 =	vld [tilespmem:s6+$0xF4B0];
	[tilespmem:s7+$0xF4B0] =	vst v9;
	v9 =	vmul.f32 v50, v8  }
0x15e: {  	v8 =	vmul.f32 v51, v8;
	[tilespmem:s7+$0xF4C0] =	vst v10;
	v10 =	vld [tilespmem:s6+$0xF4C0]  }
0x15f: {  	v55 =	vld [tilespmem:s6+$0xF4D0];
	[tilespmem:s7+$0xF4D0] =	vst v9;
	v9 =	vmul.f32 v52, v7  }
0x160: {  	v56 =	vld [tilespmem:s6+$0xF4E0];
	[tilespmem:s7+$0xF4E0] =	vst v8;
	v8 =	vmul.f32 v53, v7  }
0x161: {  	[tilespmem:s6+$0xF480] =	vst v9;
	v9 =	vmul.f32 v11, v7;
	v11 =	vld [tilespmem:s0+$0xF480]  }
0x162: {  	v57 =	vld [tilespmem:s0+$0xF490];
	[tilespmem:s6+$0xF490] =	vst v8;
	v8 =	vmul.f32 v54, v7  }
0x163: {  	[tilespmem:s6+$0xF4A0] =	vst v9;
	v9 =	vmul.f32 v10, v7;
	v10 =	vld [tilespmem:s0+$0xF4A0]  }
0x164: {  	v58 =	vld [tilespmem:s0+$0xF4B0];
	[tilespmem:s6+$0xF4B0] =	vst v8;
	v8 =	vmul.f32 v55, v7  }
0x165: {  	v7 =	vmul.f32 v56, v7;
	[tilespmem:s6+$0xF4C0] =	vst v9;
	v9 =	vld [tilespmem:s0+$0xF4C0]  }
0x166: {  	[tilespmem:s6+$0xF4D0] =	vst v8;
	v8 =	vmul.f32 v11, v6;
	v11 =	vld [tilespmem:s0+$0xF4D0]  }
0x167: {  	v59 =	vld [tilespmem:s0+$0xF4E0];
	[tilespmem:s6+$0xF4E0] =	vst v7;
	v7 =	vmul.f32 v57, v6  }
0x168: {  	[tilespmem:s0+$0xF480] =	vst v8;
	v8 =	vmul.f32 v10, v6;
	v10 =	vld [tilespmem:s2+$0xF480]  }
0x169: {  	v60 =	vld [tilespmem:s2+$0xF490];
	[tilespmem:s0+$0xF490] =	vst v7;
	v7 =	vmul.f32 v58, v6  }
0x16a: {  	[tilespmem:s0+$0xF4A0] =	vst v8;
	v8 =	vmul.f32 v9, v6;
	v9 =	vld [tilespmem:s2+$0xF4A0]  }
0x16b: {  	[tilespmem:s0+$0xF4B0] =	vst v7;
	v7 =	vmul.f32 v11, v6;
	v11 =	vld [tilespmem:s2+$0xF4B0]  }
0x16c: {  	v6 =	vmul.f32 v59, v6;
	[tilespmem:s0+$0xF4C0] =	vst v8;
	v8 =	vld [tilespmem:s2+$0xF4C0]  }
0x16d: {  	[tilespmem:s0+$0xF4D0] =	vst v7;
	v7 =	vmul.f32 v10, v5;
	v10 =	vld [tilespmem:s2+$0xF4D0]  }
0x16e: {  	v61 =	vld [tilespmem:s2+$0xF4E0];
	[tilespmem:s0+$0xF4E0] =	vst v6;
	v6 =	vmul.f32 v60, v5  }
0x16f: {  	[tilespmem:s2+$0xF480] =	vst v7;
	v7 =	vmul.f32 v9, v5;
	v9 =	vld [tilespmem:s31+$0xF480]  }
0x170: {  	[tilespmem:s2+$0xF490] =	vst v6;
	v6 =	vmul.f32 v11, v5;
	v11 =	vld [tilespmem:s31+$0xF490]  }
0x171: {  	[tilespmem:s2+$0xF4A0] =	vst v7;
	v7 =	vmul.f32 v8, v5;
	v8 =	vld [tilespmem:s31+$0xF4A0]  }
0x172: {  	[tilespmem:s2+$0xF4B0] =	vst v6;
	v6 =	vmul.f32 v10, v5;
	v10 =	vld [tilespmem:s31+$0xF4B0]  }
0x173: {  	v5 =	vmul.f32 v61, v5;
	[tilespmem:s2+$0xF4C0] =	vst v7;
	v7 =	vld [tilespmem:s31+$0xF4C0]  }
0x174: {  	[tilespmem:s2+$0xF4D0] =	vst v6;
	v6 =	vmul.f32 v9, v4;
	v9 =	vld [tilespmem:s31+$0xF4D0]  }
0x175: {  	[tilespmem:s2+$0xF4E0] =	vst v5;
	v5 =	vmul.f32 v11, v4;
	v11 =	vld [tilespmem:s31+$0xF4E0]  }
0x176: {  	[tilespmem:s31+$0xF480] =	vst v6;
	v6 =	vmul.f32 v8, v4;
	v8 =	vld [tilespmem:s29+$0xF480]  }
0x177: {  	[tilespmem:s31+$0xF490] =	vst v5;
	v5 =	vmul.f32 v10, v4;
	v10 =	vld [tilespmem:s29+$0xF490]  }
0x178: {  	v62 =	vld [tilespmem:s29+$0xF4A0];
	[tilespmem:s31+$0xF4A0] =	vst v6;
	v6 =	vmul.f32 v7, v4  }
0x179: {  	[tilespmem:s31+$0xF4B0] =	vst v5;
	v5 =	vmul.f32 v9, v4;
	v9 =	vld [tilespmem:s29+$0xF4B0]  }
0x17a: {  	v63 =	vld [tilespmem:s29+$0xF4D0];
	[tilespmem:s31+$0xF4C0] =	vst v6;
	v4 =	vmul.f32 v11, v4  }
0x17b: {  	v11 =	vld [tilespmem:s29+$0xF4C0];
	[tilespmem:s31+$0xF4D0] =	vst v5;
	v5 =	vmul.f32 v8, v3  }
.Ltmp9:
0x17c: {  	v7 =	vld [tilespmem:s28+$0xF480];
	[tilespmem:s31+$0xF4E0] =	vst v4;
	v4 =	vmul.f32 v10, v3;
	(pc) =	sbr.rel @p0 .LBB2_7-.Ltmp9, $4  }
0x17d: {  	v6 =	vld [tilespmem:s28+$0xF490];
	v10 =	vmul.f32 v62, v3;
	[tilespmem:s29+$0xF480] =	vst v5  }
0x17e: {  	v8 =	vld [tilespmem:s29+$0xF4E0];
	[tilespmem:s29+$0xF490] =	vst v4;
	v9 =	vmul.f32 v9, v3  }
0x17f: {  	v5 =	vld [tilespmem:s28+$0xF4A0];
	[tilespmem:s29+$0xF4A0] =	vst v10  }
0x180: {  	v4 =	vld [tilespmem:s28+$0xF4B0];
	v10 =	vmul.f32 v11, v3;
	[tilespmem:s29+$0xF4B0] =	vst v9;
	v9 =	vmul.f32 v63, v3  }
.Ltmp10:
0x181: {  	_ = 	snop;
	(pc) =	sbr.rel .LBB2_8-.Ltmp10, $1  }
0x182: {  	_ =	sdelay $0x3  }
.LBB2_11:
0x183: {  	_ =	sfence.sel $0x180000  }
0x184: {  	[bflag:$0x0] =	sbarrier.arrive $0xFFFF  }
0x185: {  	_ =	strace $0x90000047  }
0x186: {  	s0 =	stileid.u32;
	[bflag:$0x2] =	sbarrier.arrive $0xFFFF  }
0x187: {  	p0 =	sne.s32 s0, $0x0;
	s0 =	rddreg [dreg:$0x3]  }
0x188: {  	s0 =	sadd.s32 @!p0 $0x100000, s0  }
0x189: {  	[sflag:s0] =	ssyncadd.tile.s32 @!p0 $0x1;
	_ =	shalt  }
.Lfunc_end2:
_tile_overlayer_lowered:
.L_overlay_start_2:
0x18a: {  	(tag) =	ssettag $0x2  }
0x18b: {  	s0 =	rddreg [dreg:$0x0];
	s2 =	stileid.u32  }
0x18c: {  	s1 =	rddreg [dreg:$0x1];
	p0 =	sne.s32 s2, $0x0  }
0x18d: {  	s3 =	rddreg [dreg:$0x2];
	[bflag:$0x3] =	sbarrier.arrive $0xFFFF;
	s2 =	simm.s32 @!p0 $0x1C13  }
0x18e: {  	[timem:s3], [sflag:s2] =	dma.local @!p0 [hbm:s0], s1  }
0x18f: {  	s0 =	simm.s32 @!p0 $0x13  }
0x190: {  	_ =	swait.ge @!p0 [sflag:s0], s1  }
0x191: {  	s1 =	ssub.s32 @!p0 $0x0, s1;
	[sflag:s0] =	ssyncset.done @!p0 $0x0  }
0x192: {  	[sflag:s0] =	ssyncadd.s32 @!p0 s1  }
0x193: {  	[bflag:$0x3] =	sbarrier.arrive $0xFFFF  }
0x194: {  	_ =	shalt  }

</sc_bundles>
